<compile_context>
chip_gen: v7x
topology: tpu7x:2x2x1
jax: 0.10.2.dev20260603
libtpu: 0.0.44.dev20260713+nightly
codegen_flags: <defaults>
</compile_context>

<pallas_src>
import functools

import jax
import jax.numpy as jnp
from jax import lax
from jax.experimental import pallas as pl
from jax.experimental.pallas import tpu as pltpu
from jax.experimental.pallas import tpu_sc as plsc

L = 172800
C = 336
H, W = 128, 224
BH, BW = 240, 120
D = 6
CELLS = BH * BW
PLANE = H * W
NROWS = D * C
NWORKERS = 32
ROWS_PER_W = NROWS // NWORKERS
CHUNK = 7200
UNROLL = 10
VPC = CHUNK // 16


def _body(fish_ref, pv_ref, front_ref, p_ref, valid_ref, dens_ref, out_ref,
          idx_v, w_v, plane_v, out_v, psem, osem0, osem1):
    osems = (osem0, osem1)
    cid = lax.axis_index("c")
    sid = lax.axis_index("s")
    wid = sid * 2 + cid
    q0 = wid * ROWS_PER_W

    def start_plane(q):
        d = q // C
        c = q % C
        cam = d // 2
        csrc = pl.ds(c * PLANE, PLANE)
        dst = plane_v.at[pl.ds((q % 2) * PLANE, PLANE)]

        @pl.when(cam == 0)
        def _():
            pltpu.async_copy(fish_ref.at[csrc], dst, psem)

        @pl.when(cam == 1)
        def _():
            pltpu.async_copy(pv_ref.at[csrc], dst, psem)

        @pl.when(cam == 2)
        def _():
            pltpu.async_copy(front_ref.at[csrc], dst, psem)

    def wait_plane(q):
        pltpu.make_async_copy(
            fish_ref.at[pl.ds(0, PLANE)],
            plane_v.at[pl.ds((q % 2) * PLANE, PLANE)], psem).wait()

    def drain_out(h):
        pltpu.make_async_copy(out_v.at[pl.ds(0, CHUNK)],
                              out_ref.at[pl.ds(0, CHUNK)], osems[h]).wait()

    def prep(d):
        seg = pl.ds(d * CELLS, CELLS)
        pltpu.sync_copy(dens_ref.at[seg], w_v)
        pltpu.sync_copy(valid_ref.at[seg], idx_v)

        def wstep(j, _):
            s = pl.ds(j * 16, 16)
            w_v[s] = w_v[s] * idx_v[s].astype(jnp.float32)
            return 0

        lax.fori_loop(0, CELLS // 16, wstep, 0)
        pltpu.sync_copy(p_ref.at[seg], idx_v)

    def row(q, _):
        d = q // C
        c = q % C

        @pl.when(jnp.logical_or(q == q0, c == 0))
        def _():
            prep(d)

        wait_plane(q)

        @pl.when(q + 1 < q0 + ROWS_PER_W)
        def _():
            start_plane(q + 1)

        plane = plane_v.at[pl.ds((q % 2) * PLANE, PLANE)]

        for k in range(CELLS // CHUNK):
            if k >= 2:
                drain_out(k % 2)
            else:
                @pl.when(q > q0)
                def _():
                    drain_out(k % 2)

            @plsc.parallel_loop(0, VPC, 1, unroll=UNROLL)
            def gstep(g):
                t = g * 16
                s = pl.ds(k * CHUNK + t, 16)
                idx = idx_v[s]
                vals = plsc.load_gather(plane, [idx])
                out_v[pl.ds((k % 2) * CHUNK + t, 16)] = vals * w_v[s]
            pltpu.async_copy(out_v.at[pl.ds((k % 2) * CHUNK, CHUNK)],
                             out_ref.at[pl.ds(q * CELLS + k * CHUNK, CHUNK)],
                             osems[k % 2])
        return 0

    start_plane(q0)
    lax.fori_loop(q0, q0 + ROWS_PER_W, row, 0)
    drain_out(0)
    drain_out(1)


@jax.jit
def _run(fish_i, pv_i, front_i, p, valid, dens):
    mesh = plsc.VectorSubcoreMesh(core_axis_name="c", subcore_axis_name="s",
                                  num_cores=2, num_subcores=16)
    return pl.kernel(
        _body,
        out_type=jax.ShapeDtypeStruct((NROWS * CELLS,), jnp.float32),
        mesh=mesh,
        compiler_params=pltpu.CompilerParams(needs_layout_passes=False),
        scratch_types=[
            pltpu.VMEM((CELLS,), jnp.int32),
            pltpu.VMEM((CELLS,), jnp.float32),
            pltpu.VMEM((2 * PLANE,), jnp.float32),
            pltpu.VMEM((2 * CHUNK,), jnp.float32),
            pltpu.SemaphoreType.DMA,
            pltpu.SemaphoreType.DMA,
            pltpu.SemaphoreType.DMA,
        ],
    )(fish_i, pv_i, front_i, p, valid, dens)


def kernel(fish_input, pv_input, front_input, uu, vv, valid, density):
    fish_i = fish_input.reshape(C * PLANE)
    pv_i = pv_input.reshape(C * PLANE)
    front_i = front_input.reshape(C * PLANE)
    p = vv * W + uu
    out = _run(fish_i, pv_i, front_i, p, valid, density)
    return out.reshape(1, NROWS, BH, BW)

# --- scband reference (transcript-rebuilt; emitter-appended) ---
"""Pipeline reference for scband-voxel-projection-78245714198739 (READ-ONLY COPY).

The authoritative reference and input builder live on the scoring server;
editing this copy changes nothing except your own understanding.
"""

import jax, jax.numpy as jnp
import numpy as np

L = 172800
C = 336
H, W = 128, 224
BH, BW = 240, 120
D = 6


def setup_inputs(seed: int = 0) -> dict:
    key = jax.random.key(seed)
    ks = jax.random.split(key, 7)
    fish_input = jax.random.normal(ks[0], (1, C, H, W), dtype=jnp.float32)
    pv_input = jax.random.normal(ks[1], (1, C, H, W), dtype=jnp.float32)
    front_input = jax.random.normal(ks[2], (1, C, H, W), dtype=jnp.float32)
    # Buffers that the torch module loads from .npy files (uu/vv pixel lookup
    # tables, validity mask, normalized density weights), materialized here.
    uu = jax.random.randint(ks[3], (L,), 0, W, dtype=jnp.int32)
    vv = jax.random.randint(ks[4], (L,), 0, H, dtype=jnp.int32)
    valid = jax.random.randint(ks[5], (L,), 0, 2, dtype=jnp.int32)
    density = jax.random.uniform(ks[6], (L,), dtype=jnp.float32)
    return {"fish_input": fish_input, "pv_input": pv_input, "front_input": front_input,
            "uu": uu, "vv": vv, "valid": valid, "density": density}


def reference(fish_input, pv_input, front_input, uu, vv, valid, density):
    # Voxel projection: for each of L voxels, gather the feature vector at
    # (vv[i], uu[i]) from the camera feature map owning that voxel (first third
    # fisheye, second third pv, last third front -- matching the concat order of
    # the uu/vv buffers in the torch module), weight it by valid*density, and
    # scatter-add it into the BEV grid; the 6 depth layers are concatenated
    # along channels giving [1, 6*336=2016, 240, 120].
    imgs = jnp.concatenate([fish_input, pv_input, front_input], axis=0)  # [3, C, H, W]
    per_cam = L // 3
    idx = jnp.arange(L)
    cam_id = (idx // per_cam).astype(jnp.int32)
    feats = imgs[cam_id, :, vv, uu]  # gather -> [L, C]
    w = valid.astype(jnp.float32) * density
    feats = feats * w[:, None]
    cells = BH * BW
    depth_idx = (idx // cells).astype(jnp.int32)
    cell_idx = (idx % cells).astype(jnp.int32)
    out = jnp.zeros((D, cells, C), dtype=feats.dtype)
    out = out.at[depth_idx, cell_idx].add(feats)  # scatter-add into BEV memory
    out = out.reshape(D, BH, BW, C).transpose(0, 3, 1, 2).reshape(1, D * C, BH, BW)
    return out

if __name__ == "__main__":
    import jax
    _d = setup_inputs()
    print(jax.jit(kernel)(*tuple(_d.values())))

</pallas_src>

<mosaic_0001>
#map = affine_map<(d0, d1) -> (0)>
module attributes {stable_mosaic.version = 14 : i64} {
  func.func @_body(%arg0: i32, %arg1: i32, %arg2: memref<9633792xf32, #tpu.memory_space<hbm>>, %arg3: memref<9633792xf32, #tpu.memory_space<hbm>>, %arg4: memref<9633792xf32, #tpu.memory_space<hbm>>, %arg5: memref<172800xi32, #tpu.memory_space<hbm>>, %arg6: memref<172800xi32, #tpu.memory_space<hbm>>, %arg7: memref<172800xf32, #tpu.memory_space<hbm>>, %arg8: memref<58060800xf32, #tpu.memory_space<hbm>>, %arg9: memref<28800xi32, #tpu.memory_space<vmem>>, %arg10: memref<28800xf32, #tpu.memory_space<vmem>>, %arg11: memref<57344xf32, #tpu.memory_space<vmem>>, %arg12: memref<14400xf32, #tpu.memory_space<vmem>>, %arg13: memref<!tpu.dma_semaphore, #tpu.memory_space<semaphore_mem>>, %arg14: memref<!tpu.dma_semaphore, #tpu.memory_space<semaphore_mem>>, %arg15: memref<!tpu.dma_semaphore, #tpu.memory_space<semaphore_mem>>) attributes {dimension_semantics = [#tpu.dimension_semantics<core_parallel>, #tpu.dimension_semantics<subcore_parallel>], iteration_bounds = array<i64: 2, 16>, scalar_prefetch = 0 : i64, scratch_operands = 7 : i64, tpu.core_type = #tpu.core_type<sc_vector_subcore>, window_params = [{transform_indices = #map}, {transform_indices = #map}, {transform_indices = #map}, {transform_indices = #map}, {transform_indices = #map}, {transform_indices = #map}, {transform_indices = #map}]} {
    %mul3A = arith.constant 2 : i32
    %mul3A_0 = arith.muli %arg1, %mul3A : i32
    %add3A = arith.addi %mul3A_0, %arg0 : i32
    %mul3A_1 = arith.constant 63 : i32
    %mul3A_2 = arith.muli %add3A, %mul3A_1 : i32
    %jit3A = arith.constant 336 : i32
    %div3A = arith.divsi %mul3A_2, %jit3A : i32
    %sign3A = arith.constant 0 : i32
    %sign3A_3 = arith.cmpi sgt, %mul3A_2, %sign3A : i32
    %sign3A_4 = arith.extui %sign3A_3 : i1 to i32
    %sign3A_5 = arith.constant 0 : i32
    %sign3A_6 = arith.cmpi slt, %mul3A_2, %sign3A_5 : i32
    %sign3A_7 = arith.extui %sign3A_6 : i1 to i32
    %sign3A_8 = arith.subi %sign3A_4, %sign3A_7 : i32
    %sign3A_9 = arith.constant 0 : i32
    %sign3A_10 = arith.cmpi sgt, %jit3A, %sign3A_9 : i32
    %sign3A_11 = arith.extui %sign3A_10 : i1 to i32
    %sign3A_12 = arith.constant 0 : i32
    %sign3A_13 = arith.cmpi slt, %jit3A, %sign3A_12 : i32
    %sign3A_14 = arith.extui %sign3A_13 : i1 to i32
    %sign3A_15 = arith.subi %sign3A_11, %sign3A_14 : i32
    %ne3A = arith.cmpi ne, %sign3A_8, %sign3A_15 : i32
    %rem3A = arith.remsi %mul3A_2, %jit3A : i32
    %ne3A_16 = arith.constant 0 : i32
    %ne3A_17 = arith.cmpi ne, %rem3A, %ne3A_16 : i32
    %and3A = arith.andi %ne3A, %ne3A_17 : i1
    %sub3A = arith.constant 1 : i32
    %sub3A_18 = arith.subi %div3A, %sub3A : i32
    %select_n3A = arith.select %and3A, %sub3A_18, %div3A : i32
    %jit3A_19 = arith.constant 336 : i32
    %eq3A = arith.constant 0 : i32
    %eq3A_20 = arith.cmpi eq, %jit3A_19, %eq3A : i32
    %jit3A_21 = arith.constant 1 : i32
    %select_n3A_22 = arith.select %eq3A_20, %jit3A_21, %jit3A_19 : i32
    %rem3A_23 = arith.remsi %mul3A_2, %select_n3A_22 : i32
    %ne3A_24 = arith.constant 0 : i32
    %ne3A_25 = arith.cmpi ne, %rem3A_23, %ne3A_24 : i32
    %lt3A = arith.constant 0 : i32
    %lt3A_26 = arith.cmpi slt, %rem3A_23, %lt3A : i32
    %lt3A_27 = arith.constant 0 : i32
    %lt3A_28 = arith.cmpi slt, %select_n3A_22, %lt3A_27 : i32
    %ne3A_29 = arith.xori %lt3A_26, %lt3A_28 : i1
    %and3A_30 = arith.andi %ne3A_29, %ne3A_25 : i1
    %add3A_31 = arith.addi %rem3A_23, %select_n3A_22 : i32
    %select_n3A_32 = arith.select %and3A_30, %add3A_31, %rem3A_23 : i32
    %jit3A_33 = arith.constant 2 : i32
    %div3A_34 = arith.divsi %select_n3A, %jit3A_33 : i32
    %sign3A_35 = arith.constant 0 : i32
    %sign3A_36 = arith.cmpi sgt, %select_n3A, %sign3A_35 : i32
    %sign3A_37 = arith.extui %sign3A_36 : i1 to i32
    %sign3A_38 = arith.constant 0 : i32
    %sign3A_39 = arith.cmpi slt, %select_n3A, %sign3A_38 : i32
    %sign3A_40 = arith.extui %sign3A_39 : i1 to i32
    %sign3A_41 = arith.subi %sign3A_37, %sign3A_40 : i32
    %sign3A_42 = arith.constant 0 : i32
    %sign3A_43 = arith.cmpi sgt, %jit3A_33, %sign3A_42 : i32
    %sign3A_44 = arith.extui %sign3A_43 : i1 to i32
    %sign3A_45 = arith.constant 0 : i32
    %sign3A_46 = arith.cmpi slt, %jit3A_33, %sign3A_45 : i32
    %sign3A_47 = arith.extui %sign3A_46 : i1 to i32
    %sign3A_48 = arith.subi %sign3A_44, %sign3A_47 : i32
    %ne3A_49 = arith.cmpi ne, %sign3A_41, %sign3A_48 : i32
    %rem3A_50 = arith.remsi %select_n3A, %jit3A_33 : i32
    %ne3A_51 = arith.constant 0 : i32
    %ne3A_52 = arith.cmpi ne, %rem3A_50, %ne3A_51 : i32
    %and3A_53 = arith.andi %ne3A_49, %ne3A_52 : i1
    %sub3A_54 = arith.constant 1 : i32
    %sub3A_55 = arith.subi %div3A_34, %sub3A_54 : i32
    %select_n3A_56 = arith.select %and3A_53, %sub3A_55, %div3A_34 : i32
    %mul3A_57 = arith.constant 28672 : i32
    %mul3A_58 = arith.muli %select_n3A_32, %mul3A_57 : i32
    %jit3A_59 = arith.constant 2 : i32
    %eq3A_60 = arith.constant 0 : i32
    %eq3A_61 = arith.cmpi eq, %jit3A_59, %eq3A_60 : i32
    %jit3A_62 = arith.constant 1 : i32
    %select_n3A_63 = arith.select %eq3A_61, %jit3A_62, %jit3A_59 : i32
    %rem3A_64 = arith.remsi %mul3A_2, %select_n3A_63 : i32
    %ne3A_65 = arith.constant 0 : i32
    %ne3A_66 = arith.cmpi ne, %rem3A_64, %ne3A_65 : i32
    %lt3A_67 = arith.constant 0 : i32
    %lt3A_68 = arith.cmpi slt, %rem3A_64, %lt3A_67 : i32
    %lt3A_69 = arith.constant 0 : i32
    %lt3A_70 = arith.cmpi slt, %select_n3A_63, %lt3A_69 : i32
    %ne3A_71 = arith.xori %lt3A_68, %lt3A_70 : i1
    %and3A_72 = arith.andi %ne3A_71, %ne3A_66 : i1
    %add3A_73 = arith.addi %rem3A_64, %select_n3A_63 : i32
    %select_n3A_74 = arith.select %and3A_72, %add3A_73, %rem3A_64 : i32
    %mul3A_75 = arith.constant 28672 : i32
    %mul3A_76 = arith.muli %select_n3A_74, %mul3A_75 : i32
    %eq3A_77 = arith.constant 0 : i32
    %eq3A_78 = arith.cmpi eq, %select_n3A_56, %eq3A_77 : i32
    %convert_element_type3A = arith.extui %eq3A_78 : i1 to i32
    %cond3A = arith.constant 0 : i32
    %cond3A_79 = arith.cmpi ne, %convert_element_type3A, %cond3A : i32
    scf.if %cond3A_79 {
      %dma_start3A = tpu.memref_slice %arg11[%mul3A_76] : memref<57344xf32, #tpu.memory_space<vmem>> -> memref<28672xf32, #tpu.memory_space<vmem>>
      %dma_start3A_117 = tpu.memref_slice %arg2[%mul3A_58] : memref<9633792xf32, #tpu.memory_space<hbm>> -> memref<28672xf32, #tpu.memory_space<hbm>>
      %dma_start3A_118 = tpu.memref_slice %arg11[%mul3A_76] : memref<57344xf32, #tpu.memory_space<vmem>> -> memref<28672xf32, #tpu.memory_space<vmem>>
      %dma_start3A_119 = tpu.memref_slice %arg2[%mul3A_58] : memref<9633792xf32, #tpu.memory_space<hbm>> -> memref<28672xf32, #tpu.memory_space<hbm>>
      tpu.enqueue_dma source(%dma_start3A_119 : memref<28672xf32, #tpu.memory_space<hbm>>) target(%dma_start3A_118 : memref<28672xf32, #tpu.memory_space<vmem>>) target_semaphore(%arg13 : memref<!tpu.dma_semaphore, #tpu.memory_space<semaphore_mem>>)
    } else {
    }
    %eq3A_80 = arith.constant 1 : i32
    %eq3A_81 = arith.cmpi eq, %select_n3A_56, %eq3A_80 : i32
    %convert_element_type3A_82 = arith.extui %eq3A_81 : i1 to i32
    %cond3A_83 = arith.constant 0 : i32
    %cond3A_84 = arith.cmpi ne, %convert_element_type3A_82, %cond3A_83 : i32
    scf.if %cond3A_84 {
      %dma_start3A = tpu.memref_slice %arg11[%mul3A_76] : memref<57344xf32, #tpu.memory_space<vmem>> -> memref<28672xf32, #tpu.memory_space<vmem>>
      %dma_start3A_117 = tpu.memref_slice %arg3[%mul3A_58] : memref<9633792xf32, #tpu.memory_space<hbm>> -> memref<28672xf32, #tpu.memory_space<hbm>>
      %dma_start3A_118 = tpu.memref_slice %arg11[%mul3A_76] : memref<57344xf32, #tpu.memory_space<vmem>> -> memref<28672xf32, #tpu.memory_space<vmem>>
      %dma_start3A_119 = tpu.memref_slice %arg3[%mul3A_58] : memref<9633792xf32, #tpu.memory_space<hbm>> -> memref<28672xf32, #tpu.memory_space<hbm>>
      tpu.enqueue_dma source(%dma_start3A_119 : memref<28672xf32, #tpu.memory_space<hbm>>) target(%dma_start3A_118 : memref<28672xf32, #tpu.memory_space<vmem>>) target_semaphore(%arg13 : memref<!tpu.dma_semaphore, #tpu.memory_space<semaphore_mem>>)
    } else {
    }
    %eq3A_85 = arith.constant 2 : i32
    %eq3A_86 = arith.cmpi eq, %select_n3A_56, %eq3A_85 : i32
    %convert_element_type3A_87 = arith.extui %eq3A_86 : i1 to i32
    %cond3A_88 = arith.constant 0 : i32
    %cond3A_89 = arith.cmpi ne, %convert_element_type3A_87, %cond3A_88 : i32
    scf.if %cond3A_89 {
      %dma_start3A = tpu.memref_slice %arg11[%mul3A_76] : memref<57344xf32, #tpu.memory_space<vmem>> -> memref<28672xf32, #tpu.memory_space<vmem>>
      %dma_start3A_117 = tpu.memref_slice %arg4[%mul3A_58] : memref<9633792xf32, #tpu.memory_space<hbm>> -> memref<28672xf32, #tpu.memory_space<hbm>>
      %dma_start3A_118 = tpu.memref_slice %arg11[%mul3A_76] : memref<57344xf32, #tpu.memory_space<vmem>> -> memref<28672xf32, #tpu.memory_space<vmem>>
      %dma_start3A_119 = tpu.memref_slice %arg4[%mul3A_58] : memref<9633792xf32, #tpu.memory_space<hbm>> -> memref<28672xf32, #tpu.memory_space<hbm>>
      tpu.enqueue_dma source(%dma_start3A_119 : memref<28672xf32, #tpu.memory_space<hbm>>) target(%dma_start3A_118 : memref<28672xf32, #tpu.memory_space<vmem>>) target_semaphore(%arg13 : memref<!tpu.dma_semaphore, #tpu.memory_space<semaphore_mem>>)
    } else {
    }
    %add3A_90 = arith.constant 63 : i32
    %add3A_91 = arith.addi %mul3A_2, %add3A_90 : i32
    %while3A = arith.constant 0 : i32
    %while3A_92 = arith.subi %add3A_91, %mul3A_2 : i32
    %while3A_93 = arith.addi %mul3A_2, %while3A_92 : i32
    %while3A_94 = arith.constant 1 : i32
    %while3A_95 = arith.divsi %while3A_92, %while3A_94 : i32
    %while3A_96 = arith.muli %while3A_95, %while3A_94 : i32
    %while3A_97 = arith.addi %mul3A_2, %while3A_96 : i32
    %while3A_98 = arith.constant 1 : i32
    %while3A_99 = scf.for %while3A_117 = %mul3A_2 to %while3A_97 step %while3A_98 iter_args(%while3A_118 = %while3A) -> (i32)  : i32 {
      %jit3A_119 = arith.constant 336 : i32
      %div3A_120 = arith.divsi %while3A_117, %jit3A_119 : i32
      %sign3A_121 = arith.constant 0 : i32
      %sign3A_122 = arith.cmpi sgt, %while3A_117, %sign3A_121 : i32
      %sign3A_123 = arith.extui %sign3A_122 : i1 to i32
      %sign3A_124 = arith.constant 0 : i32
      %sign3A_125 = arith.cmpi slt, %while3A_117, %sign3A_124 : i32
      %sign3A_126 = arith.extui %sign3A_125 : i1 to i32
      %sign3A_127 = arith.subi %sign3A_123, %sign3A_126 : i32
      %sign3A_128 = arith.constant 0 : i32
      %sign3A_129 = arith.cmpi sgt, %jit3A_119, %sign3A_128 : i32
      %sign3A_130 = arith.extui %sign3A_129 : i1 to i32
      %sign3A_131 = arith.constant 0 : i32
      %sign3A_132 = arith.cmpi slt, %jit3A_119, %sign3A_131 : i32
      %sign3A_133 = arith.extui %sign3A_132 : i1 to i32
      %sign3A_134 = arith.subi %sign3A_130, %sign3A_133 : i32
      %ne3A_135 = arith.cmpi ne, %sign3A_127, %sign3A_134 : i32
      %rem3A_136 = arith.remsi %while3A_117, %jit3A_119 : i32
      %ne3A_137 = arith.constant 0 : i32
      %ne3A_138 = arith.cmpi ne, %rem3A_136, %ne3A_137 : i32
      %and3A_139 = arith.andi %ne3A_135, %ne3A_138 : i1
      %sub3A_140 = arith.constant 1 : i32
      %sub3A_141 = arith.subi %div3A_120, %sub3A_140 : i32
      %select_n3A_142 = arith.select %and3A_139, %sub3A_141, %div3A_120 : i32
      %jit3A_143 = arith.constant 336 : i32
      %eq3A_144 = arith.constant 0 : i32
      %eq3A_145 = arith.cmpi eq, %jit3A_143, %eq3A_144 : i32
      %jit3A_146 = arith.constant 1 : i32
      %select_n3A_147 = arith.select %eq3A_145, %jit3A_146, %jit3A_143 : i32
      %rem3A_148 = arith.remsi %while3A_117, %select_n3A_147 : i32
      %ne3A_149 = arith.constant 0 : i32
      %ne3A_150 = arith.cmpi ne, %rem3A_148, %ne3A_149 : i32
      %lt3A_151 = arith.constant 0 : i32
      %lt3A_152 = arith.cmpi slt, %rem3A_148, %lt3A_151 : i32
      %lt3A_153 = arith.constant 0 : i32
      %lt3A_154 = arith.cmpi slt, %select_n3A_147, %lt3A_153 : i32
      %ne3A_155 = arith.xori %lt3A_152, %lt3A_154 : i1
      %and3A_156 = arith.andi %ne3A_155, %ne3A_150 : i1
      %add3A_157 = arith.addi %rem3A_148, %select_n3A_147 : i32
      %select_n3A_158 = arith.select %and3A_156, %add3A_157, %rem3A_148 : i32
      %eq3A_159 = arith.cmpi eq, %while3A_117, %mul3A_2 : i32
      %eq3A_160 = arith.constant 0 : i32
      %eq3A_161 = arith.cmpi eq, %select_n3A_158, %eq3A_160 : i32
      %or3A = arith.ori %eq3A_159, %eq3A_161 : i1
      %convert_element_type3A_162 = arith.extui %or3A : i1 to i32
      %cond3A_163 = arith.constant 0 : i32
      %cond3A_164 = arith.cmpi ne, %convert_element_type3A_162, %cond3A_163 : i32
      scf.if %cond3A_164 {
        %mul3A_289 = arith.constant 28800 : i32
        %mul3A_290 = arith.muli %select_n3A_142, %mul3A_289 : i32
        "tpu.region"() ({
          %run_scoped3A = tpu.sem_alloc : memref<!tpu.dma_semaphore, #tpu.memory_space<semaphore_mem>>
          %dma_start3A_297 = tpu.memref_slice %arg7[%mul3A_290] : memref<172800xf32, #tpu.memory_space<hbm>> -> memref<28800xf32, #tpu.memory_space<hbm>>
          %dma_start3A_298 = tpu.memref_slice %arg7[%mul3A_290] : memref<172800xf32, #tpu.memory_space<hbm>> -> memref<28800xf32, #tpu.memory_space<hbm>>
          tpu.enqueue_dma source(%dma_start3A_298 : memref<28800xf32, #tpu.memory_space<hbm>>) target(%arg10 : memref<28800xf32, #tpu.memory_space<vmem>>) target_semaphore(%run_scoped3A : memref<!tpu.dma_semaphore, #tpu.memory_space<semaphore_mem>>)
          %dma_wait3A_299 = tpu.memref_slice %arg7[%mul3A_290] : memref<172800xf32, #tpu.memory_space<hbm>> -> memref<28800xf32, #tpu.memory_space<hbm>>
          %dma_wait3A_300 = tpu.memref_slice %arg7[%mul3A_290] : memref<172800xf32, #tpu.memory_space<hbm>> -> memref<28800xf32, #tpu.memory_space<hbm>>
          tpu.wait_dma2 semaphore(%run_scoped3A : memref<!tpu.dma_semaphore, #tpu.memory_space<semaphore_mem>>) src(%dma_wait3A_300 : memref<28800xf32, #tpu.memory_space<hbm>>) dst(%arg10 : memref<28800xf32, #tpu.memory_space<vmem>>)
          tpu.yield
        }) : () -> ()
        "tpu.region"() ({
          %run_scoped3A = tpu.sem_alloc : memref<!tpu.dma_semaphore, #tpu.memory_space<semaphore_mem>>
          %dma_start3A_297 = tpu.memref_slice %arg6[%mul3A_290] : memref<172800xi32, #tpu.memory_space<hbm>> -> memref<28800xi32, #tpu.memory_space<hbm>>
          %dma_start3A_298 = tpu.memref_slice %arg6[%mul3A_290] : memref<172800xi32, #tpu.memory_space<hbm>> -> memref<28800xi32, #tpu.memory_space<hbm>>
          tpu.enqueue_dma source(%dma_start3A_298 : memref<28800xi32, #tpu.memory_space<hbm>>) target(%arg9 : memref<28800xi32, #tpu.memory_space<vmem>>) target_semaphore(%run_scoped3A : memref<!tpu.dma_semaphore, #tpu.memory_space<semaphore_mem>>)
          %dma_wait3A_299 = tpu.memref_slice %arg6[%mul3A_290] : memref<172800xi32, #tpu.memory_space<hbm>> -> memref<28800xi32, #tpu.memory_space<hbm>>
          %dma_wait3A_300 = tpu.memref_slice %arg6[%mul3A_290] : memref<172800xi32, #tpu.memory_space<hbm>> -> memref<28800xi32, #tpu.memory_space<hbm>>
          tpu.wait_dma2 semaphore(%run_scoped3A : memref<!tpu.dma_semaphore, #tpu.memory_space<semaphore_mem>>) src(%dma_wait3A_300 : memref<28800xi32, #tpu.memory_space<hbm>>) dst(%arg9 : memref<28800xi32, #tpu.memory_space<vmem>>)
          tpu.yield
        }) : () -> ()
        %scan3A = arith.constant 0 : i32
        %scan3A_291 = arith.constant 0 : i32
        %scan3A_292 = arith.constant 1800 : i32
        %scan3A_293 = arith.addi %scan3A_291, %scan3A_292 : i32
        %scan3A_294 = arith.constant 1 : i32
        %scan3A_295 = scf.for %scan3A_297 = %scan3A_291 to %scan3A_293 step %scan3A_294 iter_args(%scan3A_298 = %scan3A) -> (i32)  : i32 {
          %mul3A_299 = arith.constant 16 : i32
          %mul3A_300 = arith.muli %scan3A_297, %mul3A_299 : i32
          %get3A = arith.index_cast %mul3A_300 : i32 to index
          %get3A_301 = tpu.vector_load %arg10[%get3A] {strides = array<i32>} : memref<28800xf32, #tpu.memory_space<vmem>>, vector<16xf32>,
          %get3A_302 = arith.index_cast %mul3A_300 : i32 to index
          %get3A_303 = tpu.vector_load %arg9[%get3A_302] {strides = array<i32>} : memref<28800xi32, #tpu.memory_space<vmem>>, vector<16xi32>,
          %convert_element_type3A_304 = arith.sitofp %get3A_303 : vector<16xi32> to vector<16xf32>
          %mul3A_305 = arith.mulf %get3A_301, %convert_element_type3A_304 : vector<16xf32>
          %swap3A = arith.index_cast %mul3A_300 : i32 to index
          %swap3A_306 = tpu.vector_load %arg10[%swap3A] {strides = array<i32>} : memref<28800xf32, #tpu.memory_space<vmem>>, vector<16xf32>,
          tpu.vector_store %arg10[%swap3A], %mul3A_305 {strides = array<i32>} : memref<28800xf32, #tpu.memory_space<vmem>>, vector<16xf32>,
          %scan3A_307 = arith.constant 0 : i32
          scf.yield %scan3A_307 : i32
        }
        %scan3A_296 = arith.constant 1800 : i32
        "tpu.region"() ({
          %run_scoped3A = tpu.sem_alloc : memref<!tpu.dma_semaphore, #tpu.memory_space<semaphore_mem>>
          %dma_start3A_297 = tpu.memref_slice %arg5[%mul3A_290] : memref<172800xi32, #tpu.memory_space<hbm>> -> memref<28800xi32, #tpu.memory_space<hbm>>
          %dma_start3A_298 = tpu.memref_slice %arg5[%mul3A_290] : memref<172800xi32, #tpu.memory_space<hbm>> -> memref<28800xi32, #tpu.memory_space<hbm>>
          tpu.enqueue_dma source(%dma_start3A_298 : memref<28800xi32, #tpu.memory_space<hbm>>) target(%arg9 : memref<28800xi32, #tpu.memory_space<vmem>>) target_semaphore(%run_scoped3A : memref<!tpu.dma_semaphore, #tpu.memory_space<semaphore_mem>>)
          %dma_wait3A_299 = tpu.memref_slice %arg5[%mul3A_290] : memref<172800xi32, #tpu.memory_space<hbm>> -> memref<28800xi32, #tpu.memory_space<hbm>>
          %dma_wait3A_300 = tpu.memref_slice %arg5[%mul3A_290] : memref<172800xi32, #tpu.memory_space<hbm>> -> memref<28800xi32, #tpu.memory_space<hbm>>
          tpu.wait_dma2 semaphore(%run_scoped3A : memref<!tpu.dma_semaphore, #tpu.memory_space<semaphore_mem>>) src(%dma_wait3A_300 : memref<28800xi32, #tpu.memory_space<hbm>>) dst(%arg9 : memref<28800xi32, #tpu.memory_space<vmem>>)
          tpu.yield
        }) : () -> ()
      } else {
      }
      %jit3A_165 = arith.constant 2 : i32
      %eq3A_166 = arith.constant 0 : i32
      %eq3A_167 = arith.cmpi eq, %jit3A_165, %eq3A_166 : i32
      %jit3A_168 = arith.constant 1 : i32
      %select_n3A_169 = arith.select %eq3A_167, %jit3A_168, %jit3A_165 : i32
      %rem3A_170 = arith.remsi %while3A_117, %select_n3A_169 : i32
      %ne3A_171 = arith.constant 0 : i32
      %ne3A_172 = arith.cmpi ne, %rem3A_170, %ne3A_171 : i32
      %lt3A_173 = arith.constant 0 : i32
      %lt3A_174 = arith.cmpi slt, %rem3A_170, %lt3A_173 : i32
      %lt3A_175 = arith.constant 0 : i32
      %lt3A_176 = arith.cmpi slt, %select_n3A_169, %lt3A_175 : i32
      %ne3A_177 = arith.xori %lt3A_174, %lt3A_176 : i1
      %and3A_178 = arith.andi %ne3A_177, %ne3A_172 : i1
      %add3A_179 = arith.addi %rem3A_170, %select_n3A_169 : i32
      %select_n3A_180 = arith.select %and3A_178, %add3A_179, %rem3A_170 : i32
      %mul3A_181 = arith.constant 28672 : i32
      %mul3A_182 = arith.muli %select_n3A_180, %mul3A_181 : i32
      %dma_wait3A_183 = tpu.memref_slice %arg11[%mul3A_182] : memref<57344xf32, #tpu.memory_space<vmem>> -> memref<28672xf32, #tpu.memory_space<vmem>>
      %dma_wait3A_184 = arith.constant 0 : i32
      %dma_wait3A_185 = tpu.memref_slice %arg2[%dma_wait3A_184] : memref<9633792xf32, #tpu.memory_space<hbm>> -> memref<28672xf32, #tpu.memory_space<hbm>>
      %dma_wait3A_186 = tpu.memref_slice %arg11[%mul3A_182] : memref<57344xf32, #tpu.memory_space<vmem>> -> memref<28672xf32, #tpu.memory_space<vmem>>
      %dma_wait3A_187 = arith.constant 0 : i32
      %dma_wait3A_188 = tpu.memref_slice %arg2[%dma_wait3A_187] : memref<9633792xf32, #tpu.memory_space<hbm>> -> memref<28672xf32, #tpu.memory_space<hbm>>
      tpu.wait_dma2 semaphore(%arg13 : memref<!tpu.dma_semaphore, #tpu.memory_space<semaphore_mem>>) src(%dma_wait3A_188 : memref<28672xf32, #tpu.memory_space<hbm>>) dst(%dma_wait3A_186 : memref<28672xf32, #tpu.memory_space<vmem>>)
      %add3A_189 = arith.constant 1 : i32
      %add3A_190 = arith.addi %while3A_117, %add3A_189 : i32
      %add3A_191 = arith.constant 63 : i32
      %add3A_192 = arith.addi %mul3A_2, %add3A_191 : i32
      %lt3A_193 = arith.cmpi slt, %add3A_190, %add3A_192 : i32
      %convert_element_type3A_194 = arith.extui %lt3A_193 : i1 to i32
      %cond3A_195 = arith.constant 0 : i32
      %cond3A_196 = arith.cmpi ne, %convert_element_type3A_194, %cond3A_195 : i32
      scf.if %cond3A_196 {
        %add3A_289 = arith.constant 1 : i32
        %add3A_290 = arith.addi %while3A_117, %add3A_289 : i32
        %jit3A_291 = arith.constant 336 : i32
        %div3A_292 = arith.divsi %add3A_290, %jit3A_291 : i32
        %sign3A_293 = arith.constant 0 : i32
        %sign3A_294 = arith.cmpi sgt, %add3A_290, %sign3A_293 : i32
        %sign3A_295 = arith.extui %sign3A_294 : i1 to i32
        %sign3A_296 = arith.constant 0 : i32
        %sign3A_297 = arith.cmpi slt, %add3A_290, %sign3A_296 : i32
        %sign3A_298 = arith.extui %sign3A_297 : i1 to i32
        %sign3A_299 = arith.subi %sign3A_295, %sign3A_298 : i32
        %sign3A_300 = arith.constant 0 : i32
        %sign3A_301 = arith.cmpi sgt, %jit3A_291, %sign3A_300 : i32
        %sign3A_302 = arith.extui %sign3A_301 : i1 to i32
        %sign3A_303 = arith.constant 0 : i32
        %sign3A_304 = arith.cmpi slt, %jit3A_291, %sign3A_303 : i32
        %sign3A_305 = arith.extui %sign3A_304 : i1 to i32
        %sign3A_306 = arith.subi %sign3A_302, %sign3A_305 : i32
        %ne3A_307 = arith.cmpi ne, %sign3A_299, %sign3A_306 : i32
        %rem3A_308 = arith.remsi %add3A_290, %jit3A_291 : i32
        %ne3A_309 = arith.constant 0 : i32
        %ne3A_310 = arith.cmpi ne, %rem3A_308, %ne3A_309 : i32
        %and3A_311 = arith.andi %ne3A_307, %ne3A_310 : i1
        %sub3A_312 = arith.constant 1 : i32
        %sub3A_313 = arith.subi %div3A_292, %sub3A_312 : i32
        %select_n3A_314 = arith.select %and3A_311, %sub3A_313, %div3A_292 : i32
        %jit3A_315 = arith.constant 336 : i32
        %eq3A_316 = arith.constant 0 : i32
        %eq3A_317 = arith.cmpi eq, %jit3A_315, %eq3A_316 : i32
        %jit3A_318 = arith.constant 1 : i32
        %select_n3A_319 = arith.select %eq3A_317, %jit3A_318, %jit3A_315 : i32
        %rem3A_320 = arith.remsi %add3A_290, %select_n3A_319 : i32
        %ne3A_321 = arith.constant 0 : i32
        %ne3A_322 = arith.cmpi ne, %rem3A_320, %ne3A_321 : i32
        %lt3A_323 = arith.constant 0 : i32
        %lt3A_324 = arith.cmpi slt, %rem3A_320, %lt3A_323 : i32
        %lt3A_325 = arith.constant 0 : i32
        %lt3A_326 = arith.cmpi slt, %select_n3A_319, %lt3A_325 : i32
        %ne3A_327 = arith.xori %lt3A_324, %lt3A_326 : i1
        %and3A_328 = arith.andi %ne3A_327, %ne3A_322 : i1
        %add3A_329 = arith.addi %rem3A_320, %select_n3A_319 : i32
        %select_n3A_330 = arith.select %and3A_328, %add3A_329, %rem3A_320 : i32
        %jit3A_331 = arith.constant 2 : i32
        %div3A_332 = arith.divsi %select_n3A_314, %jit3A_331 : i32
        %sign3A_333 = arith.constant 0 : i32
        %sign3A_334 = arith.cmpi sgt, %select_n3A_314, %sign3A_333 : i32
        %sign3A_335 = arith.extui %sign3A_334 : i1 to i32
        %sign3A_336 = arith.constant 0 : i32
        %sign3A_337 = arith.cmpi slt, %select_n3A_314, %sign3A_336 : i32
        %sign3A_338 = arith.extui %sign3A_337 : i1 to i32
        %sign3A_339 = arith.subi %sign3A_335, %sign3A_338 : i32
        %sign3A_340 = arith.constant 0 : i32
        %sign3A_341 = arith.cmpi sgt, %jit3A_331, %sign3A_340 : i32
        %sign3A_342 = arith.extui %sign3A_341 : i1 to i32
        %sign3A_343 = arith.constant 0 : i32
        %sign3A_344 = arith.cmpi slt, %jit3A_331, %sign3A_343 : i32
        %sign3A_345 = arith.extui %sign3A_344 : i1 to i32
        %sign3A_346 = arith.subi %sign3A_342, %sign3A_345 : i32
        %ne3A_347 = arith.cmpi ne, %sign3A_339, %sign3A_346 : i32
        %rem3A_348 = arith.remsi %select_n3A_314, %jit3A_331 : i32
        %ne3A_349 = arith.constant 0 : i32
        %ne3A_350 = arith.cmpi ne, %rem3A_348, %ne3A_349 : i32
        %and3A_351 = arith.andi %ne3A_347, %ne3A_350 : i1
        %sub3A_352 = arith.constant 1 : i32
        %sub3A_353 = arith.subi %div3A_332, %sub3A_352 : i32
        %select_n3A_354 = arith.select %and3A_351, %sub3A_353, %div3A_332 : i32
        %mul3A_355 = arith.constant 28672 : i32
        %mul3A_356 = arith.muli %select_n3A_330, %mul3A_355 : i32
        %jit3A_357 = arith.constant 2 : i32
        %eq3A_358 = arith.constant 0 : i32
        %eq3A_359 = arith.cmpi eq, %jit3A_357, %eq3A_358 : i32
        %jit3A_360 = arith.constant 1 : i32
        %select_n3A_361 = arith.select %eq3A_359, %jit3A_360, %jit3A_357 : i32
        %rem3A_362 = arith.remsi %add3A_290, %select_n3A_361 : i32
        %ne3A_363 = arith.constant 0 : i32
        %ne3A_364 = arith.cmpi ne, %rem3A_362, %ne3A_363 : i32
        %lt3A_365 = arith.constant 0 : i32
        %lt3A_366 = arith.cmpi slt, %rem3A_362, %lt3A_365 : i32
        %lt3A_367 = arith.constant 0 : i32
        %lt3A_368 = arith.cmpi slt, %select_n3A_361, %lt3A_367 : i32
        %ne3A_369 = arith.xori %lt3A_366, %lt3A_368 : i1
        %and3A_370 = arith.andi %ne3A_369, %ne3A_364 : i1
        %add3A_371 = arith.addi %rem3A_362, %select_n3A_361 : i32
        %select_n3A_372 = arith.select %and3A_370, %add3A_371, %rem3A_362 : i32
        %mul3A_373 = arith.constant 28672 : i32
        %mul3A_374 = arith.muli %select_n3A_372, %mul3A_373 : i32
        %eq3A_375 = arith.constant 0 : i32
        %eq3A_376 = arith.cmpi eq, %select_n3A_354, %eq3A_375 : i32
        %convert_element_type3A_377 = arith.extui %eq3A_376 : i1 to i32
        %cond3A_378 = arith.constant 0 : i32
        %cond3A_379 = arith.cmpi ne, %convert_element_type3A_377, %cond3A_378 : i32
        scf.if %cond3A_379 {
          %dma_start3A_390 = tpu.memref_slice %arg11[%mul3A_374] : memref<57344xf32, #tpu.memory_space<vmem>> -> memref<28672xf32, #tpu.memory_space<vmem>>
          %dma_start3A_391 = tpu.memref_slice %arg2[%mul3A_356] : memref<9633792xf32, #tpu.memory_space<hbm>> -> memref<28672xf32, #tpu.memory_space<hbm>>
          %dma_start3A_392 = tpu.memref_slice %arg11[%mul3A_374] : memref<57344xf32, #tpu.memory_space<vmem>> -> memref<28672xf32, #tpu.memory_space<vmem>>
          %dma_start3A_393 = tpu.memref_slice %arg2[%mul3A_356] : memref<9633792xf32, #tpu.memory_space<hbm>> -> memref<28672xf32, #tpu.memory_space<hbm>>
          tpu.enqueue_dma source(%dma_start3A_393 : memref<28672xf32, #tpu.memory_space<hbm>>) target(%dma_start3A_392 : memref<28672xf32, #tpu.memory_space<vmem>>) target_semaphore(%arg13 : memref<!tpu.dma_semaphore, #tpu.memory_space<semaphore_mem>>)
        } else {
        }
        %eq3A_380 = arith.constant 1 : i32
        %eq3A_381 = arith.cmpi eq, %select_n3A_354, %eq3A_380 : i32
        %convert_element_type3A_382 = arith.extui %eq3A_381 : i1 to i32
        %cond3A_383 = arith.constant 0 : i32
        %cond3A_384 = arith.cmpi ne, %convert_element_type3A_382, %cond3A_383 : i32
        scf.if %cond3A_384 {
          %dma_start3A_390 = tpu.memref_slice %arg11[%mul3A_374] : memref<57344xf32, #tpu.memory_space<vmem>> -> memref<28672xf32, #tpu.memory_space<vmem>>
          %dma_start3A_391 = tpu.memref_slice %arg3[%mul3A_356] : memref<9633792xf32, #tpu.memory_space<hbm>> -> memref<28672xf32, #tpu.memory_space<hbm>>
          %dma_start3A_392 = tpu.memref_slice %arg11[%mul3A_374] : memref<57344xf32, #tpu.memory_space<vmem>> -> memref<28672xf32, #tpu.memory_space<vmem>>
          %dma_start3A_393 = tpu.memref_slice %arg3[%mul3A_356] : memref<9633792xf32, #tpu.memory_space<hbm>> -> memref<28672xf32, #tpu.memory_space<hbm>>
          tpu.enqueue_dma source(%dma_start3A_393 : memref<28672xf32, #tpu.memory_space<hbm>>) target(%dma_start3A_392 : memref<28672xf32, #tpu.memory_space<vmem>>) target_semaphore(%arg13 : memref<!tpu.dma_semaphore, #tpu.memory_space<semaphore_mem>>)
        } else {
        }
        %eq3A_385 = arith.constant 2 : i32
        %eq3A_386 = arith.cmpi eq, %select_n3A_354, %eq3A_385 : i32
        %convert_element_type3A_387 = arith.extui %eq3A_386 : i1 to i32
        %cond3A_388 = arith.constant 0 : i32
        %cond3A_389 = arith.cmpi ne, %convert_element_type3A_387, %cond3A_388 : i32
        scf.if %cond3A_389 {
          %dma_start3A_390 = tpu.memref_slice %arg11[%mul3A_374] : memref<57344xf32, #tpu.memory_space<vmem>> -> memref<28672xf32, #tpu.memory_space<vmem>>
          %dma_start3A_391 = tpu.memref_slice %arg4[%mul3A_356] : memref<9633792xf32, #tpu.memory_space<hbm>> -> memref<28672xf32, #tpu.memory_space<hbm>>
          %dma_start3A_392 = tpu.memref_slice %arg11[%mul3A_374] : memref<57344xf32, #tpu.memory_space<vmem>> -> memref<28672xf32, #tpu.memory_space<vmem>>
          %dma_start3A_393 = tpu.memref_slice %arg4[%mul3A_356] : memref<9633792xf32, #tpu.memory_space<hbm>> -> memref<28672xf32, #tpu.memory_space<hbm>>
          tpu.enqueue_dma source(%dma_start3A_393 : memref<28672xf32, #tpu.memory_space<hbm>>) target(%dma_start3A_392 : memref<28672xf32, #tpu.memory_space<vmem>>) target_semaphore(%arg13 : memref<!tpu.dma_semaphore, #tpu.memory_space<semaphore_mem>>)
        } else {
        }
      } else {
      }
      %jit3A_197 = arith.constant 2 : i32
      %eq3A_198 = arith.constant 0 : i32
      %eq3A_199 = arith.cmpi eq, %jit3A_197, %eq3A_198 : i32
      %jit3A_200 = arith.constant 1 : i32
      %select_n3A_201 = arith.select %eq3A_199, %jit3A_200, %jit3A_197 : i32
      %rem3A_202 = arith.remsi %while3A_117, %select_n3A_201 : i32
      %ne3A_203 = arith.constant 0 : i32
      %ne3A_204 = arith.cmpi ne, %rem3A_202, %ne3A_203 : i32
      %lt3A_205 = arith.constant 0 : i32
      %lt3A_206 = arith.cmpi slt, %rem3A_202, %lt3A_205 : i32
      %lt3A_207 = arith.constant 0 : i32
      %lt3A_208 = arith.cmpi slt, %select_n3A_201, %lt3A_207 : i32
      %ne3A_209 = arith.xori %lt3A_206, %lt3A_208 : i1
      %and3A_210 = arith.andi %ne3A_209, %ne3A_204 : i1
      %add3A_211 = arith.addi %rem3A_202, %select_n3A_201 : i32
      %select_n3A_212 = arith.select %and3A_210, %add3A_211, %rem3A_202 : i32
      %mul3A_213 = arith.constant 28672 : i32
      %mul3A_214 = arith.muli %select_n3A_212, %mul3A_213 : i32
      %gt3A = arith.cmpi sgt, %while3A_117, %mul3A_2 : i32
      %convert_element_type3A_215 = arith.extui %gt3A : i1 to i32
      %cond3A_216 = arith.constant 0 : i32
      %cond3A_217 = arith.cmpi ne, %convert_element_type3A_215, %cond3A_216 : i32
      scf.if %cond3A_217 {
        %dma_wait3A_289 = arith.constant 0 : i32
        %dma_wait3A_290 = tpu.memref_slice %arg12[%dma_wait3A_289] : memref<14400xf32, #tpu.memory_space<vmem>> -> memref<7200xf32, #tpu.memory_space<vmem>>
        %dma_wait3A_291 = arith.constant 0 : i32
        %dma_wait3A_292 = tpu.memref_slice %arg8[%dma_wait3A_291] : memref<58060800xf32, #tpu.memory_space<hbm>> -> memref<7200xf32, #tpu.memory_space<hbm>>
        %dma_wait3A_293 = arith.constant 0 : i32
        %dma_wait3A_294 = tpu.memref_slice %arg8[%dma_wait3A_293] : memref<58060800xf32, #tpu.memory_space<hbm>> -> memref<7200xf32, #tpu.memory_space<hbm>>
        %dma_wait3A_295 = arith.constant 0 : i32
        %dma_wait3A_296 = tpu.memref_slice %arg12[%dma_wait3A_295] : memref<14400xf32, #tpu.memory_space<vmem>> -> memref<7200xf32, #tpu.memory_space<vmem>>
        tpu.wait_dma2 semaphore(%arg14 : memref<!tpu.dma_semaphore, #tpu.memory_space<semaphore_mem>>) src(%dma_wait3A_296 : memref<7200xf32, #tpu.memory_space<vmem>>) dst(%dma_wait3A_294 : memref<7200xf32, #tpu.memory_space<hbm>>)
      } else {
      }
      %parallel_loop3A = arith.constant 0 : i32
      %parallel_loop3A_218 = arith.constant 450 : i32
      %parallel_loop3A_219 = arith.constant 1 : i32
      scf.for %parallel_loop3A_289 = %parallel_loop3A to %parallel_loop3A_218 step %parallel_loop3A_219  : i32 {
        %parallel_loop3A_290 = arith.constant 16 : i32
        %parallel_loop3A_291 = arith.muli %parallel_loop3A_289, %parallel_loop3A_290 : i32
        %parallel_loop3A_292 = arith.constant 0 : i32
        %parallel_loop3A_293 = arith.addi %parallel_loop3A_292, %parallel_loop3A_291 : i32
        %parallel_loop3A_294 = arith.index_cast %parallel_loop3A_293 : i32 to index
        %parallel_loop3A_295 = tpu.vector_load %arg9[%parallel_loop3A_294] {strides = array<i32>} : memref<28800xi32, #tpu.memory_space<vmem>>, vector<16xi32>,
        %parallel_loop3A_296 = tpu.memref_slice %arg11[%mul3A_214] : memref<57344xf32, #tpu.memory_space<vmem>> -> memref<28672xf32, #tpu.memory_space<vmem>>
        %parallel_loop3A_297 = tpu.vector_load_idx %parallel_loop3A_296[%parallel_loop3A_295] : memref<28672xf32, #tpu.memory_space<vmem>>[vector<16xi32>], vector<16xf32>,
        %parallel_loop3A_298 = arith.index_cast %parallel_loop3A_293 : i32 to index
        %parallel_loop3A_299 = tpu.vector_load %arg10[%parallel_loop3A_298] {strides = array<i32>} : memref<28800xf32, #tpu.memory_space<vmem>>, vector<16xf32>,
        %parallel_loop3A_300 = arith.mulf %parallel_loop3A_297, %parallel_loop3A_299 : vector<16xf32>
        %parallel_loop3A_301 = arith.constant 0 : i32
        %parallel_loop3A_302 = arith.addi %parallel_loop3A_301, %parallel_loop3A_291 : i32
        %parallel_loop3A_303 = arith.index_cast %parallel_loop3A_302 : i32 to index
        %parallel_loop3A_304 = tpu.vector_load %arg12[%parallel_loop3A_303] {strides = array<i32>} : memref<14400xf32, #tpu.memory_space<vmem>>, vector<16xf32>,
        tpu.vector_store %arg12[%parallel_loop3A_303], %parallel_loop3A_300 {strides = array<i32>} : memref<14400xf32, #tpu.memory_space<vmem>>, vector<16xf32>,
      } {sc.loop_unroll_factor = 10 : i64, sc.parallel_access}
      %mul3A_220 = arith.constant 28800 : i32
      %mul3A_221 = arith.muli %while3A_117, %mul3A_220 : i32
      %add3A_222 = arith.constant 0 : i32
      %add3A_223 = arith.addi %mul3A_221, %add3A_222 : i32
      %dma_start3A = arith.constant 0 : i32
      %dma_start3A_224 = tpu.memref_slice %arg12[%dma_start3A] : memref<14400xf32, #tpu.memory_space<vmem>> -> memref<7200xf32, #tpu.memory_space<vmem>>
      %dma_start3A_225 = tpu.memref_slice %arg8[%add3A_223] : memref<58060800xf32, #tpu.memory_space<hbm>> -> memref<7200xf32, #tpu.memory_space<hbm>>
      %dma_start3A_226 = tpu.memref_slice %arg8[%add3A_223] : memref<58060800xf32, #tpu.memory_space<hbm>> -> memref<7200xf32, #tpu.memory_space<hbm>>
      %dma_start3A_227 = arith.constant 0 : i32
      %dma_start3A_228 = tpu.memref_slice %arg12[%dma_start3A_227] : memref<14400xf32, #tpu.memory_space<vmem>> -> memref<7200xf32, #tpu.memory_space<vmem>>
      tpu.enqueue_dma source(%dma_start3A_228 : memref<7200xf32, #tpu.memory_space<vmem>>) target(%dma_start3A_226 : memref<7200xf32, #tpu.memory_space<hbm>>) target_semaphore(%arg14 : memref<!tpu.dma_semaphore, #tpu.memory_space<semaphore_mem>>)
      %gt3A_229 = arith.cmpi sgt, %while3A_117, %mul3A_2 : i32
      %convert_element_type3A_230 = arith.extui %gt3A_229 : i1 to i32
      %cond3A_231 = arith.constant 0 : i32
      %cond3A_232 = arith.cmpi ne, %convert_element_type3A_230, %cond3A_231 : i32
      scf.if %cond3A_232 {
        %dma_wait3A_289 = arith.constant 0 : i32
        %dma_wait3A_290 = tpu.memref_slice %arg12[%dma_wait3A_289] : memref<14400xf32, #tpu.memory_space<vmem>> -> memref<7200xf32, #tpu.memory_space<vmem>>
        %dma_wait3A_291 = arith.constant 0 : i32
        %dma_wait3A_292 = tpu.memref_slice %arg8[%dma_wait3A_291] : memref<58060800xf32, #tpu.memory_space<hbm>> -> memref<7200xf32, #tpu.memory_space<hbm>>
        %dma_wait3A_293 = arith.constant 0 : i32
        %dma_wait3A_294 = tpu.memref_slice %arg8[%dma_wait3A_293] : memref<58060800xf32, #tpu.memory_space<hbm>> -> memref<7200xf32, #tpu.memory_space<hbm>>
        %dma_wait3A_295 = arith.constant 0 : i32
        %dma_wait3A_296 = tpu.memref_slice %arg12[%dma_wait3A_295] : memref<14400xf32, #tpu.memory_space<vmem>> -> memref<7200xf32, #tpu.memory_space<vmem>>
        tpu.wait_dma2 semaphore(%arg15 : memref<!tpu.dma_semaphore, #tpu.memory_space<semaphore_mem>>) src(%dma_wait3A_296 : memref<7200xf32, #tpu.memory_space<vmem>>) dst(%dma_wait3A_294 : memref<7200xf32, #tpu.memory_space<hbm>>)
      } else {
      }
      %parallel_loop3A_233 = arith.constant 0 : i32
      %parallel_loop3A_234 = arith.constant 450 : i32
      %parallel_loop3A_235 = arith.constant 1 : i32
      scf.for %parallel_loop3A_289 = %parallel_loop3A_233 to %parallel_loop3A_234 step %parallel_loop3A_235  : i32 {
        %parallel_loop3A_290 = arith.constant 16 : i32
        %parallel_loop3A_291 = arith.muli %parallel_loop3A_289, %parallel_loop3A_290 : i32
        %parallel_loop3A_292 = arith.constant 7200 : i32
        %parallel_loop3A_293 = arith.addi %parallel_loop3A_292, %parallel_loop3A_291 : i32
        %parallel_loop3A_294 = arith.index_cast %parallel_loop3A_293 : i32 to index
        %parallel_loop3A_295 = tpu.vector_load %arg9[%parallel_loop3A_294] {strides = array<i32>} : memref<28800xi32, #tpu.memory_space<vmem>>, vector<16xi32>,
        %parallel_loop3A_296 = tpu.memref_slice %arg11[%mul3A_214] : memref<57344xf32, #tpu.memory_space<vmem>> -> memref<28672xf32, #tpu.memory_space<vmem>>
        %parallel_loop3A_297 = tpu.vector_load_idx %parallel_loop3A_296[%parallel_loop3A_295] : memref<28672xf32, #tpu.memory_space<vmem>>[vector<16xi32>], vector<16xf32>,
        %parallel_loop3A_298 = arith.index_cast %parallel_loop3A_293 : i32 to index
        %parallel_loop3A_299 = tpu.vector_load %arg10[%parallel_loop3A_298] {strides = array<i32>} : memref<28800xf32, #tpu.memory_space<vmem>>, vector<16xf32>,
        %parallel_loop3A_300 = arith.mulf %parallel_loop3A_297, %parallel_loop3A_299 : vector<16xf32>
        %parallel_loop3A_301 = arith.constant 7200 : i32
        %parallel_loop3A_302 = arith.addi %parallel_loop3A_301, %parallel_loop3A_291 : i32
        %parallel_loop3A_303 = arith.index_cast %parallel_loop3A_302 : i32 to index
        %parallel_loop3A_304 = tpu.vector_load %arg12[%parallel_loop3A_303] {strides = array<i32>} : memref<14400xf32, #tpu.memory_space<vmem>>, vector<16xf32>,
        tpu.vector_store %arg12[%parallel_loop3A_303], %parallel_loop3A_300 {strides = array<i32>} : memref<14400xf32, #tpu.memory_space<vmem>>, vector<16xf32>,
      } {sc.loop_unroll_factor = 10 : i64, sc.parallel_access}
      %mul3A_236 = arith.constant 28800 : i32
      %mul3A_237 = arith.muli %while3A_117, %mul3A_236 : i32
      %add3A_238 = arith.constant 7200 : i32
      %add3A_239 = arith.addi %mul3A_237, %add3A_238 : i32
      %dma_start3A_240 = arith.constant 7200 : i32
      %dma_start3A_241 = tpu.memref_slice %arg12[%dma_start3A_240] : memref<14400xf32, #tpu.memory_space<vmem>> -> memref<7200xf32, #tpu.memory_space<vmem>>
      %dma_start3A_242 = tpu.memref_slice %arg8[%add3A_239] : memref<58060800xf32, #tpu.memory_space<hbm>> -> memref<7200xf32, #tpu.memory_space<hbm>>
      %dma_start3A_243 = tpu.memref_slice %arg8[%add3A_239] : memref<58060800xf32, #tpu.memory_space<hbm>> -> memref<7200xf32, #tpu.memory_space<hbm>>
      %dma_start3A_244 = arith.constant 7200 : i32
      %dma_start3A_245 = tpu.memref_slice %arg12[%dma_start3A_244] : memref<14400xf32, #tpu.memory_space<vmem>> -> memref<7200xf32, #tpu.memory_space<vmem>>
      tpu.enqueue_dma source(%dma_start3A_245 : memref<7200xf32, #tpu.memory_space<vmem>>) target(%dma_start3A_243 : memref<7200xf32, #tpu.memory_space<hbm>>) target_semaphore(%arg15 : memref<!tpu.dma_semaphore, #tpu.memory_space<semaphore_mem>>)
      %dma_wait3A_246 = arith.constant 0 : i32
      %dma_wait3A_247 = tpu.memref_slice %arg12[%dma_wait3A_246] : memref<14400xf32, #tpu.memory_space<vmem>> -> memref<7200xf32, #tpu.memory_space<vmem>>
      %dma_wait3A_248 = arith.constant 0 : i32
      %dma_wait3A_249 = tpu.memref_slice %arg8[%dma_wait3A_248] : memref<58060800xf32, #tpu.memory_space<hbm>> -> memref<7200xf32, #tpu.memory_space<hbm>>
      %dma_wait3A_250 = arith.constant 0 : i32
      %dma_wait3A_251 = tpu.memref_slice %arg8[%dma_wait3A_250] : memref<58060800xf32, #tpu.memory_space<hbm>> -> memref<7200xf32, #tpu.memory_space<hbm>>
      %dma_wait3A_252 = arith.constant 0 : i32
      %dma_wait3A_253 = tpu.memref_slice %arg12[%dma_wait3A_252] : memref<14400xf32, #tpu.memory_space<vmem>> -> memref<7200xf32, #tpu.memory_space<vmem>>
      tpu.wait_dma2 semaphore(%arg14 : memref<!tpu.dma_semaphore, #tpu.memory_space<semaphore_mem>>) src(%dma_wait3A_253 : memref<7200xf32, #tpu.memory_space<vmem>>) dst(%dma_wait3A_251 : memref<7200xf32, #tpu.memory_space<hbm>>)
      %parallel_loop3A_254 = arith.constant 0 : i32
      %parallel_loop3A_255 = arith.constant 450 : i32
      %parallel_loop3A_256 = arith.constant 1 : i32
      scf.for %parallel_loop3A_289 = %parallel_loop3A_254 to %parallel_loop3A_255 step %parallel_loop3A_256  : i32 {
        %parallel_loop3A_290 = arith.constant 16 : i32
        %parallel_loop3A_291 = arith.muli %parallel_loop3A_289, %parallel_loop3A_290 : i32
        %parallel_loop3A_292 = arith.constant 14400 : i32
        %parallel_loop3A_293 = arith.addi %parallel_loop3A_292, %parallel_loop3A_291 : i32
        %parallel_loop3A_294 = arith.index_cast %parallel_loop3A_293 : i32 to index
        %parallel_loop3A_295 = tpu.vector_load %arg9[%parallel_loop3A_294] {strides = array<i32>} : memref<28800xi32, #tpu.memory_space<vmem>>, vector<16xi32>,
        %parallel_loop3A_296 = tpu.memref_slice %arg11[%mul3A_214] : memref<57344xf32, #tpu.memory_space<vmem>> -> memref<28672xf32, #tpu.memory_space<vmem>>
        %parallel_loop3A_297 = tpu.vector_load_idx %parallel_loop3A_296[%parallel_loop3A_295] : memref<28672xf32, #tpu.memory_space<vmem>>[vector<16xi32>], vector<16xf32>,
        %parallel_loop3A_298 = arith.index_cast %parallel_loop3A_293 : i32 to index
        %parallel_loop3A_299 = tpu.vector_load %arg10[%parallel_loop3A_298] {strides = array<i32>} : memref<28800xf32, #tpu.memory_space<vmem>>, vector<16xf32>,
        %parallel_loop3A_300 = arith.mulf %parallel_loop3A_297, %parallel_loop3A_299 : vector<16xf32>
        %parallel_loop3A_301 = arith.constant 0 : i32
        %parallel_loop3A_302 = arith.addi %parallel_loop3A_301, %parallel_loop3A_291 : i32
        %parallel_loop3A_303 = arith.index_cast %parallel_loop3A_302 : i32 to index
        %parallel_loop3A_304 = tpu.vector_load %arg12[%parallel_loop3A_303] {strides = array<i32>} : memref<14400xf32, #tpu.memory_space<vmem>>, vector<16xf32>,
        tpu.vector_store %arg12[%parallel_loop3A_303], %parallel_loop3A_300 {strides = array<i32>} : memref<14400xf32, #tpu.memory_space<vmem>>, vector<16xf32>,
      } {sc.loop_unroll_factor = 10 : i64, sc.parallel_access}
      %mul3A_257 = arith.constant 28800 : i32
      %mul3A_258 = arith.muli %while3A_117, %mul3A_257 : i32
      %add3A_259 = arith.constant 14400 : i32
      %add3A_260 = arith.addi %mul3A_258, %add3A_259 : i32
      %dma_start3A_261 = arith.constant 0 : i32
      %dma_start3A_262 = tpu.memref_slice %arg12[%dma_start3A_261] : memref<14400xf32, #tpu.memory_space<vmem>> -> memref<7200xf32, #tpu.memory_space<vmem>>
      %dma_start3A_263 = tpu.memref_slice %arg8[%add3A_260] : memref<58060800xf32, #tpu.memory_space<hbm>> -> memref<7200xf32, #tpu.memory_space<hbm>>
      %dma_start3A_264 = tpu.memref_slice %arg8[%add3A_260] : memref<58060800xf32, #tpu.memory_space<hbm>> -> memref<7200xf32, #tpu.memory_space<hbm>>
      %dma_start3A_265 = arith.constant 0 : i32
      %dma_start3A_266 = tpu.memref_slice %arg12[%dma_start3A_265] : memref<14400xf32, #tpu.memory_space<vmem>> -> memref<7200xf32, #tpu.memory_space<vmem>>
      tpu.enqueue_dma source(%dma_start3A_266 : memref<7200xf32, #tpu.memory_space<vmem>>) target(%dma_start3A_264 : memref<7200xf32, #tpu.memory_space<hbm>>) target_semaphore(%arg14 : memref<!tpu.dma_semaphore, #tpu.memory_space<semaphore_mem>>)
      %dma_wait3A_267 = arith.constant 0 : i32
      %dma_wait3A_268 = tpu.memref_slice %arg12[%dma_wait3A_267] : memref<14400xf32, #tpu.memory_space<vmem>> -> memref<7200xf32, #tpu.memory_space<vmem>>
      %dma_wait3A_269 = arith.constant 0 : i32
      %dma_wait3A_270 = tpu.memref_slice %arg8[%dma_wait3A_269] : memref<58060800xf32, #tpu.memory_space<hbm>> -> memref<7200xf32, #tpu.memory_space<hbm>>
      %dma_wait3A_271 = arith.constant 0 : i32
      %dma_wait3A_272 = tpu.memref_slice %arg8[%dma_wait3A_271] : memref<58060800xf32, #tpu.memory_space<hbm>> -> memref<7200xf32, #tpu.memory_space<hbm>>
      %dma_wait3A_273 = arith.constant 0 : i32
      %dma_wait3A_274 = tpu.memref_slice %arg12[%dma_wait3A_273] : memref<14400xf32, #tpu.memory_space<vmem>> -> memref<7200xf32, #tpu.memory_space<vmem>>
      tpu.wait_dma2 semaphore(%arg15 : memref<!tpu.dma_semaphore, #tpu.memory_space<semaphore_mem>>) src(%dma_wait3A_274 : memref<7200xf32, #tpu.memory_space<vmem>>) dst(%dma_wait3A_272 : memref<7200xf32, #tpu.memory_space<hbm>>)
      %parallel_loop3A_275 = arith.constant 0 : i32
      %parallel_loop3A_276 = arith.constant 450 : i32
      %parallel_loop3A_277 = arith.constant 1 : i32
      scf.for %parallel_loop3A_289 = %parallel_loop3A_275 to %parallel_loop3A_276 step %parallel_loop3A_277  : i32 {
        %parallel_loop3A_290 = arith.constant 16 : i32
        %parallel_loop3A_291 = arith.muli %parallel_loop3A_289, %parallel_loop3A_290 : i32
        %parallel_loop3A_292 = arith.constant 21600 : i32
        %parallel_loop3A_293 = arith.addi %parallel_loop3A_292, %parallel_loop3A_291 : i32
        %parallel_loop3A_294 = arith.index_cast %parallel_loop3A_293 : i32 to index
        %parallel_loop3A_295 = tpu.vector_load %arg9[%parallel_loop3A_294] {strides = array<i32>} : memref<28800xi32, #tpu.memory_space<vmem>>, vector<16xi32>,
        %parallel_loop3A_296 = tpu.memref_slice %arg11[%mul3A_214] : memref<57344xf32, #tpu.memory_space<vmem>> -> memref<28672xf32, #tpu.memory_space<vmem>>
        %parallel_loop3A_297 = tpu.vector_load_idx %parallel_loop3A_296[%parallel_loop3A_295] : memref<28672xf32, #tpu.memory_space<vmem>>[vector<16xi32>], vector<16xf32>,
        %parallel_loop3A_298 = arith.index_cast %parallel_loop3A_293 : i32 to index
        %parallel_loop3A_299 = tpu.vector_load %arg10[%parallel_loop3A_298] {strides = array<i32>} : memref<28800xf32, #tpu.memory_space<vmem>>, vector<16xf32>,
        %parallel_loop3A_300 = arith.mulf %parallel_loop3A_297, %parallel_loop3A_299 : vector<16xf32>
        %parallel_loop3A_301 = arith.constant 7200 : i32
        %parallel_loop3A_302 = arith.addi %parallel_loop3A_301, %parallel_loop3A_291 : i32
        %parallel_loop3A_303 = arith.index_cast %parallel_loop3A_302 : i32 to index
        %parallel_loop3A_304 = tpu.vector_load %arg12[%parallel_loop3A_303] {strides = array<i32>} : memref<14400xf32, #tpu.memory_space<vmem>>, vector<16xf32>,
        tpu.vector_store %arg12[%parallel_loop3A_303], %parallel_loop3A_300 {strides = array<i32>} : memref<14400xf32, #tpu.memory_space<vmem>>, vector<16xf32>,
      } {sc.loop_unroll_factor = 10 : i64, sc.parallel_access}
      %mul3A_278 = arith.constant 28800 : i32
      %mul3A_279 = arith.muli %while3A_117, %mul3A_278 : i32
      %add3A_280 = arith.constant 21600 : i32
      %add3A_281 = arith.addi %mul3A_279, %add3A_280 : i32
      %dma_start3A_282 = arith.constant 7200 : i32
      %dma_start3A_283 = tpu.memref_slice %arg12[%dma_start3A_282] : memref<14400xf32, #tpu.memory_space<vmem>> -> memref<7200xf32, #tpu.memory_space<vmem>>
      %dma_start3A_284 = tpu.memref_slice %arg8[%add3A_281] : memref<58060800xf32, #tpu.memory_space<hbm>> -> memref<7200xf32, #tpu.memory_space<hbm>>
      %dma_start3A_285 = tpu.memref_slice %arg8[%add3A_281] : memref<58060800xf32, #tpu.memory_space<hbm>> -> memref<7200xf32, #tpu.memory_space<hbm>>
      %dma_start3A_286 = arith.constant 7200 : i32
      %dma_start3A_287 = tpu.memref_slice %arg12[%dma_start3A_286] : memref<14400xf32, #tpu.memory_space<vmem>> -> memref<7200xf32, #tpu.memory_space<vmem>>
      tpu.enqueue_dma source(%dma_start3A_287 : memref<7200xf32, #tpu.memory_space<vmem>>) target(%dma_start3A_285 : memref<7200xf32, #tpu.memory_space<hbm>>) target_semaphore(%arg15 : memref<!tpu.dma_semaphore, #tpu.memory_space<semaphore_mem>>)
      %while3A_288 = arith.constant 0 : i32
      scf.yield %while3A_288 : i32
    }
    %while3A_100 = arith.constant 1 : i32
    %while3A_101 = scf.for %while3A_117 = %while3A_97 to %while3A_93 step %while3A_100 iter_args(%while3A_118 = %while3A_99) -> (i32)  : i32 {
      %jit3A_119 = arith.constant 336 : i32
      %div3A_120 = arith.divsi %while3A_117, %jit3A_119 : i32
      %sign3A_121 = arith.constant 0 : i32
      %sign3A_122 = arith.cmpi sgt, %while3A_117, %sign3A_121 : i32
      %sign3A_123 = arith.extui %sign3A_122 : i1 to i32
      %sign3A_124 = arith.constant 0 : i32
      %sign3A_125 = arith.cmpi slt, %while3A_117, %sign3A_124 : i32
      %sign3A_126 = arith.extui %sign3A_125 : i1 to i32
      %sign3A_127 = arith.subi %sign3A_123, %sign3A_126 : i32
      %sign3A_128 = arith.constant 0 : i32
      %sign3A_129 = arith.cmpi sgt, %jit3A_119, %sign3A_128 : i32
      %sign3A_130 = arith.extui %sign3A_129 : i1 to i32
      %sign3A_131 = arith.constant 0 : i32
      %sign3A_132 = arith.cmpi slt, %jit3A_119, %sign3A_131 : i32
      %sign3A_133 = arith.extui %sign3A_132 : i1 to i32
      %sign3A_134 = arith.subi %sign3A_130, %sign3A_133 : i32
      %ne3A_135 = arith.cmpi ne, %sign3A_127, %sign3A_134 : i32
      %rem3A_136 = arith.remsi %while3A_117, %jit3A_119 : i32
      %ne3A_137 = arith.constant 0 : i32
      %ne3A_138 = arith.cmpi ne, %rem3A_136, %ne3A_137 : i32
      %and3A_139 = arith.andi %ne3A_135, %ne3A_138 : i1
      %sub3A_140 = arith.constant 1 : i32
      %sub3A_141 = arith.subi %div3A_120, %sub3A_140 : i32
      %select_n3A_142 = arith.select %and3A_139, %sub3A_141, %div3A_120 : i32
      %jit3A_143 = arith.constant 336 : i32
      %eq3A_144 = arith.constant 0 : i32
      %eq3A_145 = arith.cmpi eq, %jit3A_143, %eq3A_144 : i32
      %jit3A_146 = arith.constant 1 : i32
      %select_n3A_147 = arith.select %eq3A_145, %jit3A_146, %jit3A_143 : i32
      %rem3A_148 = arith.remsi %while3A_117, %select_n3A_147 : i32
      %ne3A_149 = arith.constant 0 : i32
      %ne3A_150 = arith.cmpi ne, %rem3A_148, %ne3A_149 : i32
      %lt3A_151 = arith.constant 0 : i32
      %lt3A_152 = arith.cmpi slt, %rem3A_148, %lt3A_151 : i32
      %lt3A_153 = arith.constant 0 : i32
      %lt3A_154 = arith.cmpi slt, %select_n3A_147, %lt3A_153 : i32
      %ne3A_155 = arith.xori %lt3A_152, %lt3A_154 : i1
      %and3A_156 = arith.andi %ne3A_155, %ne3A_150 : i1
      %add3A_157 = arith.addi %rem3A_148, %select_n3A_147 : i32
      %select_n3A_158 = arith.select %and3A_156, %add3A_157, %rem3A_148 : i32
      %eq3A_159 = arith.cmpi eq, %while3A_117, %mul3A_2 : i32
      %eq3A_160 = arith.constant 0 : i32
      %eq3A_161 = arith.cmpi eq, %select_n3A_158, %eq3A_160 : i32
      %or3A = arith.ori %eq3A_159, %eq3A_161 : i1
      %convert_element_type3A_162 = arith.extui %or3A : i1 to i32
      %cond3A_163 = arith.constant 0 : i32
      %cond3A_164 = arith.cmpi ne, %convert_element_type3A_162, %cond3A_163 : i32
      scf.if %cond3A_164 {
        %mul3A_289 = arith.constant 28800 : i32
        %mul3A_290 = arith.muli %select_n3A_142, %mul3A_289 : i32
        "tpu.region"() ({
          %run_scoped3A = tpu.sem_alloc : memref<!tpu.dma_semaphore, #tpu.memory_space<semaphore_mem>>
          %dma_start3A_297 = tpu.memref_slice %arg7[%mul3A_290] : memref<172800xf32, #tpu.memory_space<hbm>> -> memref<28800xf32, #tpu.memory_space<hbm>>
          %dma_start3A_298 = tpu.memref_slice %arg7[%mul3A_290] : memref<172800xf32, #tpu.memory_space<hbm>> -> memref<28800xf32, #tpu.memory_space<hbm>>
          tpu.enqueue_dma source(%dma_start3A_298 : memref<28800xf32, #tpu.memory_space<hbm>>) target(%arg10 : memref<28800xf32, #tpu.memory_space<vmem>>) target_semaphore(%run_scoped3A : memref<!tpu.dma_semaphore, #tpu.memory_space<semaphore_mem>>)
          %dma_wait3A_299 = tpu.memref_slice %arg7[%mul3A_290] : memref<172800xf32, #tpu.memory_space<hbm>> -> memref<28800xf32, #tpu.memory_space<hbm>>
          %dma_wait3A_300 = tpu.memref_slice %arg7[%mul3A_290] : memref<172800xf32, #tpu.memory_space<hbm>> -> memref<28800xf32, #tpu.memory_space<hbm>>
          tpu.wait_dma2 semaphore(%run_scoped3A : memref<!tpu.dma_semaphore, #tpu.memory_space<semaphore_mem>>) src(%dma_wait3A_300 : memref<28800xf32, #tpu.memory_space<hbm>>) dst(%arg10 : memref<28800xf32, #tpu.memory_space<vmem>>)
          tpu.yield
        }) : () -> ()
        "tpu.region"() ({
          %run_scoped3A = tpu.sem_alloc : memref<!tpu.dma_semaphore, #tpu.memory_space<semaphore_mem>>
          %dma_start3A_297 = tpu.memref_slice %arg6[%mul3A_290] : memref<172800xi32, #tpu.memory_space<hbm>> -> memref<28800xi32, #tpu.memory_space<hbm>>
          %dma_start3A_298 = tpu.memref_slice %arg6[%mul3A_290] : memref<172800xi32, #tpu.memory_space<hbm>> -> memref<28800xi32, #tpu.memory_space<hbm>>
          tpu.enqueue_dma source(%dma_start3A_298 : memref<28800xi32, #tpu.memory_space<hbm>>) target(%arg9 : memref<28800xi32, #tpu.memory_space<vmem>>) target_semaphore(%run_scoped3A : memref<!tpu.dma_semaphore, #tpu.memory_space<semaphore_mem>>)
          %dma_wait3A_299 = tpu.memref_slice %arg6[%mul3A_290] : memref<172800xi32, #tpu.memory_space<hbm>> -> memref<28800xi32, #tpu.memory_space<hbm>>
          %dma_wait3A_300 = tpu.memref_slice %arg6[%mul3A_290] : memref<172800xi32, #tpu.memory_space<hbm>> -> memref<28800xi32, #tpu.memory_space<hbm>>
          tpu.wait_dma2 semaphore(%run_scoped3A : memref<!tpu.dma_semaphore, #tpu.memory_space<semaphore_mem>>) src(%dma_wait3A_300 : memref<28800xi32, #tpu.memory_space<hbm>>) dst(%arg9 : memref<28800xi32, #tpu.memory_space<vmem>>)
          tpu.yield
        }) : () -> ()
        %scan3A = arith.constant 0 : i32
        %scan3A_291 = arith.constant 0 : i32
        %scan3A_292 = arith.constant 1800 : i32
        %scan3A_293 = arith.addi %scan3A_291, %scan3A_292 : i32
        %scan3A_294 = arith.constant 1 : i32
        %scan3A_295 = scf.for %scan3A_297 = %scan3A_291 to %scan3A_293 step %scan3A_294 iter_args(%scan3A_298 = %scan3A) -> (i32)  : i32 {
          %mul3A_299 = arith.constant 16 : i32
          %mul3A_300 = arith.muli %scan3A_297, %mul3A_299 : i32
          %get3A = arith.index_cast %mul3A_300 : i32 to index
          %get3A_301 = tpu.vector_load %arg10[%get3A] {strides = array<i32>} : memref<28800xf32, #tpu.memory_space<vmem>>, vector<16xf32>,
          %get3A_302 = arith.index_cast %mul3A_300 : i32 to index
          %get3A_303 = tpu.vector_load %arg9[%get3A_302] {strides = array<i32>} : memref<28800xi32, #tpu.memory_space<vmem>>, vector<16xi32>,
          %convert_element_type3A_304 = arith.sitofp %get3A_303 : vector<16xi32> to vector<16xf32>
          %mul3A_305 = arith.mulf %get3A_301, %convert_element_type3A_304 : vector<16xf32>
          %swap3A = arith.index_cast %mul3A_300 : i32 to index
          %swap3A_306 = tpu.vector_load %arg10[%swap3A] {strides = array<i32>} : memref<28800xf32, #tpu.memory_space<vmem>>, vector<16xf32>,
          tpu.vector_store %arg10[%swap3A], %mul3A_305 {strides = array<i32>} : memref<28800xf32, #tpu.memory_space<vmem>>, vector<16xf32>,
          %scan3A_307 = arith.constant 0 : i32
          scf.yield %scan3A_307 : i32
        }
        %scan3A_296 = arith.constant 1800 : i32
        "tpu.region"() ({
          %run_scoped3A = tpu.sem_alloc : memref<!tpu.dma_semaphore, #tpu.memory_space<semaphore_mem>>
          %dma_start3A_297 = tpu.memref_slice %arg5[%mul3A_290] : memref<172800xi32, #tpu.memory_space<hbm>> -> memref<28800xi32, #tpu.memory_space<hbm>>
          %dma_start3A_298 = tpu.memref_slice %arg5[%mul3A_290] : memref<172800xi32, #tpu.memory_space<hbm>> -> memref<28800xi32, #tpu.memory_space<hbm>>
          tpu.enqueue_dma source(%dma_start3A_298 : memref<28800xi32, #tpu.memory_space<hbm>>) target(%arg9 : memref<28800xi32, #tpu.memory_space<vmem>>) target_semaphore(%run_scoped3A : memref<!tpu.dma_semaphore, #tpu.memory_space<semaphore_mem>>)
          %dma_wait3A_299 = tpu.memref_slice %arg5[%mul3A_290] : memref<172800xi32, #tpu.memory_space<hbm>> -> memref<28800xi32, #tpu.memory_space<hbm>>
          %dma_wait3A_300 = tpu.memref_slice %arg5[%mul3A_290] : memref<172800xi32, #tpu.memory_space<hbm>> -> memref<28800xi32, #tpu.memory_space<hbm>>
          tpu.wait_dma2 semaphore(%run_scoped3A : memref<!tpu.dma_semaphore, #tpu.memory_space<semaphore_mem>>) src(%dma_wait3A_300 : memref<28800xi32, #tpu.memory_space<hbm>>) dst(%arg9 : memref<28800xi32, #tpu.memory_space<vmem>>)
          tpu.yield
        }) : () -> ()
      } else {
      }
      %jit3A_165 = arith.constant 2 : i32
      %eq3A_166 = arith.constant 0 : i32
      %eq3A_167 = arith.cmpi eq, %jit3A_165, %eq3A_166 : i32
      %jit3A_168 = arith.constant 1 : i32
      %select_n3A_169 = arith.select %eq3A_167, %jit3A_168, %jit3A_165 : i32
      %rem3A_170 = arith.remsi %while3A_117, %select_n3A_169 : i32
      %ne3A_171 = arith.constant 0 : i32
      %ne3A_172 = arith.cmpi ne, %rem3A_170, %ne3A_171 : i32
      %lt3A_173 = arith.constant 0 : i32
      %lt3A_174 = arith.cmpi slt, %rem3A_170, %lt3A_173 : i32
      %lt3A_175 = arith.constant 0 : i32
      %lt3A_176 = arith.cmpi slt, %select_n3A_169, %lt3A_175 : i32
      %ne3A_177 = arith.xori %lt3A_174, %lt3A_176 : i1
      %and3A_178 = arith.andi %ne3A_177, %ne3A_172 : i1
      %add3A_179 = arith.addi %rem3A_170, %select_n3A_169 : i32
      %select_n3A_180 = arith.select %and3A_178, %add3A_179, %rem3A_170 : i32
      %mul3A_181 = arith.constant 28672 : i32
      %mul3A_182 = arith.muli %select_n3A_180, %mul3A_181 : i32
      %dma_wait3A_183 = tpu.memref_slice %arg11[%mul3A_182] : memref<57344xf32, #tpu.memory_space<vmem>> -> memref<28672xf32, #tpu.memory_space<vmem>>
      %dma_wait3A_184 = arith.constant 0 : i32
      %dma_wait3A_185 = tpu.memref_slice %arg2[%dma_wait3A_184] : memref<9633792xf32, #tpu.memory_space<hbm>> -> memref<28672xf32, #tpu.memory_space<hbm>>
      %dma_wait3A_186 = tpu.memref_slice %arg11[%mul3A_182] : memref<57344xf32, #tpu.memory_space<vmem>> -> memref<28672xf32, #tpu.memory_space<vmem>>
      %dma_wait3A_187 = arith.constant 0 : i32
      %dma_wait3A_188 = tpu.memref_slice %arg2[%dma_wait3A_187] : memref<9633792xf32, #tpu.memory_space<hbm>> -> memref<28672xf32, #tpu.memory_space<hbm>>
      tpu.wait_dma2 semaphore(%arg13 : memref<!tpu.dma_semaphore, #tpu.memory_space<semaphore_mem>>) src(%dma_wait3A_188 : memref<28672xf32, #tpu.memory_space<hbm>>) dst(%dma_wait3A_186 : memref<28672xf32, #tpu.memory_space<vmem>>)
      %add3A_189 = arith.constant 1 : i32
      %add3A_190 = arith.addi %while3A_117, %add3A_189 : i32
      %add3A_191 = arith.constant 63 : i32
      %add3A_192 = arith.addi %mul3A_2, %add3A_191 : i32
      %lt3A_193 = arith.cmpi slt, %add3A_190, %add3A_192 : i32
      %convert_element_type3A_194 = arith.extui %lt3A_193 : i1 to i32
      %cond3A_195 = arith.constant 0 : i32
      %cond3A_196 = arith.cmpi ne, %convert_element_type3A_194, %cond3A_195 : i32
      scf.if %cond3A_196 {
        %add3A_289 = arith.constant 1 : i32
        %add3A_290 = arith.addi %while3A_117, %add3A_289 : i32
        %jit3A_291 = arith.constant 336 : i32
        %div3A_292 = arith.divsi %add3A_290, %jit3A_291 : i32
        %sign3A_293 = arith.constant 0 : i32
        %sign3A_294 = arith.cmpi sgt, %add3A_290, %sign3A_293 : i32
        %sign3A_295 = arith.extui %sign3A_294 : i1 to i32
        %sign3A_296 = arith.constant 0 : i32
        %sign3A_297 = arith.cmpi slt, %add3A_290, %sign3A_296 : i32
        %sign3A_298 = arith.extui %sign3A_297 : i1 to i32
        %sign3A_299 = arith.subi %sign3A_295, %sign3A_298 : i32
        %sign3A_300 = arith.constant 0 : i32
        %sign3A_301 = arith.cmpi sgt, %jit3A_291, %sign3A_300 : i32
        %sign3A_302 = arith.extui %sign3A_301 : i1 to i32
        %sign3A_303 = arith.constant 0 : i32
        %sign3A_304 = arith.cmpi slt, %jit3A_291, %sign3A_303 : i32
        %sign3A_305 = arith.extui %sign3A_304 : i1 to i32
        %sign3A_306 = arith.subi %sign3A_302, %sign3A_305 : i32
        %ne3A_307 = arith.cmpi ne, %sign3A_299, %sign3A_306 : i32
        %rem3A_308 = arith.remsi %add3A_290, %jit3A_291 : i32
        %ne3A_309 = arith.constant 0 : i32
        %ne3A_310 = arith.cmpi ne, %rem3A_308, %ne3A_309 : i32
        %and3A_311 = arith.andi %ne3A_307, %ne3A_310 : i1
        %sub3A_312 = arith.constant 1 : i32
        %sub3A_313 = arith.subi %div3A_292, %sub3A_312 : i32
        %select_n3A_314 = arith.select %and3A_311, %sub3A_313, %div3A_292 : i32
        %jit3A_315 = arith.constant 336 : i32
        %eq3A_316 = arith.constant 0 : i32
        %eq3A_317 = arith.cmpi eq, %jit3A_315, %eq3A_316 : i32
        %jit3A_318 = arith.constant 1 : i32
        %select_n3A_319 = arith.select %eq3A_317, %jit3A_318, %jit3A_315 : i32
        %rem3A_320 = arith.remsi %add3A_290, %select_n3A_319 : i32
        %ne3A_321 = arith.constant 0 : i32
        %ne3A_322 = arith.cmpi ne, %rem3A_320, %ne3A_321 : i32
        %lt3A_323 = arith.constant 0 : i32
        %lt3A_324 = arith.cmpi slt, %rem3A_320, %lt3A_323 : i32
        %lt3A_325 = arith.constant 0 : i32
        %lt3A_326 = arith.cmpi slt, %select_n3A_319, %lt3A_325 : i32
        %ne3A_327 = arith.xori %lt3A_324, %lt3A_326 : i1
        %and3A_328 = arith.andi %ne3A_327, %ne3A_322 : i1
        %add3A_329 = arith.addi %rem3A_320, %select_n3A_319 : i32
        %select_n3A_330 = arith.select %and3A_328, %add3A_329, %rem3A_320 : i32
        %jit3A_331 = arith.constant 2 : i32
        %div3A_332 = arith.divsi %select_n3A_314, %jit3A_331 : i32
        %sign3A_333 = arith.constant 0 : i32
        %sign3A_334 = arith.cmpi sgt, %select_n3A_314, %sign3A_333 : i32
        %sign3A_335 = arith.extui %sign3A_334 : i1 to i32
        %sign3A_336 = arith.constant 0 : i32
        %sign3A_337 = arith.cmpi slt, %select_n3A_314, %sign3A_336 : i32
        %sign3A_338 = arith.extui %sign3A_337 : i1 to i32
        %sign3A_339 = arith.subi %sign3A_335, %sign3A_338 : i32
        %sign3A_340 = arith.constant 0 : i32
        %sign3A_341 = arith.cmpi sgt, %jit3A_331, %sign3A_340 : i32
        %sign3A_342 = arith.extui %sign3A_341 : i1 to i32
        %sign3A_343 = arith.constant 0 : i32
        %sign3A_344 = arith.cmpi slt, %jit3A_331, %sign3A_343 : i32
        %sign3A_345 = arith.extui %sign3A_344 : i1 to i32
        %sign3A_346 = arith.subi %sign3A_342, %sign3A_345 : i32
        %ne3A_347 = arith.cmpi ne, %sign3A_339, %sign3A_346 : i32
        %rem3A_348 = arith.remsi %select_n3A_314, %jit3A_331 : i32
        %ne3A_349 = arith.constant 0 : i32
        %ne3A_350 = arith.cmpi ne, %rem3A_348, %ne3A_349 : i32
        %and3A_351 = arith.andi %ne3A_347, %ne3A_350 : i1
        %sub3A_352 = arith.constant 1 : i32
        %sub3A_353 = arith.subi %div3A_332, %sub3A_352 : i32
        %select_n3A_354 = arith.select %and3A_351, %sub3A_353, %div3A_332 : i32
        %mul3A_355 = arith.constant 28672 : i32
        %mul3A_356 = arith.muli %select_n3A_330, %mul3A_355 : i32
        %jit3A_357 = arith.constant 2 : i32
        %eq3A_358 = arith.constant 0 : i32
        %eq3A_359 = arith.cmpi eq, %jit3A_357, %eq3A_358 : i32
        %jit3A_360 = arith.constant 1 : i32
        %select_n3A_361 = arith.select %eq3A_359, %jit3A_360, %jit3A_357 : i32
        %rem3A_362 = arith.remsi %add3A_290, %select_n3A_361 : i32
        %ne3A_363 = arith.constant 0 : i32
        %ne3A_364 = arith.cmpi ne, %rem3A_362, %ne3A_363 : i32
        %lt3A_365 = arith.constant 0 : i32
        %lt3A_366 = arith.cmpi slt, %rem3A_362, %lt3A_365 : i32
        %lt3A_367 = arith.constant 0 : i32
        %lt3A_368 = arith.cmpi slt, %select_n3A_361, %lt3A_367 : i32
        %ne3A_369 = arith.xori %lt3A_366, %lt3A_368 : i1
        %and3A_370 = arith.andi %ne3A_369, %ne3A_364 : i1
        %add3A_371 = arith.addi %rem3A_362, %select_n3A_361 : i32
        %select_n3A_372 = arith.select %and3A_370, %add3A_371, %rem3A_362 : i32
        %mul3A_373 = arith.constant 28672 : i32
        %mul3A_374 = arith.muli %select_n3A_372, %mul3A_373 : i32
        %eq3A_375 = arith.constant 0 : i32
        %eq3A_376 = arith.cmpi eq, %select_n3A_354, %eq3A_375 : i32
        %convert_element_type3A_377 = arith.extui %eq3A_376 : i1 to i32
        %cond3A_378 = arith.constant 0 : i32
        %cond3A_379 = arith.cmpi ne, %convert_element_type3A_377, %cond3A_378 : i32
        scf.if %cond3A_379 {
          %dma_start3A_390 = tpu.memref_slice %arg11[%mul3A_374] : memref<57344xf32, #tpu.memory_space<vmem>> -> memref<28672xf32, #tpu.memory_space<vmem>>
          %dma_start3A_391 = tpu.memref_slice %arg2[%mul3A_356] : memref<9633792xf32, #tpu.memory_space<hbm>> -> memref<28672xf32, #tpu.memory_space<hbm>>
          %dma_start3A_392 = tpu.memref_slice %arg11[%mul3A_374] : memref<57344xf32, #tpu.memory_space<vmem>> -> memref<28672xf32, #tpu.memory_space<vmem>>
          %dma_start3A_393 = tpu.memref_slice %arg2[%mul3A_356] : memref<9633792xf32, #tpu.memory_space<hbm>> -> memref<28672xf32, #tpu.memory_space<hbm>>
          tpu.enqueue_dma source(%dma_start3A_393 : memref<28672xf32, #tpu.memory_space<hbm>>) target(%dma_start3A_392 : memref<28672xf32, #tpu.memory_space<vmem>>) target_semaphore(%arg13 : memref<!tpu.dma_semaphore, #tpu.memory_space<semaphore_mem>>)
        } else {
        }
        %eq3A_380 = arith.constant 1 : i32
        %eq3A_381 = arith.cmpi eq, %select_n3A_354, %eq3A_380 : i32
        %convert_element_type3A_382 = arith.extui %eq3A_381 : i1 to i32
        %cond3A_383 = arith.constant 0 : i32
        %cond3A_384 = arith.cmpi ne, %convert_element_type3A_382, %cond3A_383 : i32
        scf.if %cond3A_384 {
          %dma_start3A_390 = tpu.memref_slice %arg11[%mul3A_374] : memref<57344xf32, #tpu.memory_space<vmem>> -> memref<28672xf32, #tpu.memory_space<vmem>>
          %dma_start3A_391 = tpu.memref_slice %arg3[%mul3A_356] : memref<9633792xf32, #tpu.memory_space<hbm>> -> memref<28672xf32, #tpu.memory_space<hbm>>
          %dma_start3A_392 = tpu.memref_slice %arg11[%mul3A_374] : memref<57344xf32, #tpu.memory_space<vmem>> -> memref<28672xf32, #tpu.memory_space<vmem>>
          %dma_start3A_393 = tpu.memref_slice %arg3[%mul3A_356] : memref<9633792xf32, #tpu.memory_space<hbm>> -> memref<28672xf32, #tpu.memory_space<hbm>>
          tpu.enqueue_dma source(%dma_start3A_393 : memref<28672xf32, #tpu.memory_space<hbm>>) target(%dma_start3A_392 : memref<28672xf32, #tpu.memory_space<vmem>>) target_semaphore(%arg13 : memref<!tpu.dma_semaphore, #tpu.memory_space<semaphore_mem>>)
        } else {
        }
        %eq3A_385 = arith.constant 2 : i32
        %eq3A_386 = arith.cmpi eq, %select_n3A_354, %eq3A_385 : i32
        %convert_element_type3A_387 = arith.extui %eq3A_386 : i1 to i32
        %cond3A_388 = arith.constant 0 : i32
        %cond3A_389 = arith.cmpi ne, %convert_element_type3A_387, %cond3A_388 : i32
        scf.if %cond3A_389 {
          %dma_start3A_390 = tpu.memref_slice %arg11[%mul3A_374] : memref<57344xf32, #tpu.memory_space<vmem>> -> memref<28672xf32, #tpu.memory_space<vmem>>
          %dma_start3A_391 = tpu.memref_slice %arg4[%mul3A_356] : memref<9633792xf32, #tpu.memory_space<hbm>> -> memref<28672xf32, #tpu.memory_space<hbm>>
          %dma_start3A_392 = tpu.memref_slice %arg11[%mul3A_374] : memref<57344xf32, #tpu.memory_space<vmem>> -> memref<28672xf32, #tpu.memory_space<vmem>>
          %dma_start3A_393 = tpu.memref_slice %arg4[%mul3A_356] : memref<9633792xf32, #tpu.memory_space<hbm>> -> memref<28672xf32, #tpu.memory_space<hbm>>
          tpu.enqueue_dma source(%dma_start3A_393 : memref<28672xf32, #tpu.memory_space<hbm>>) target(%dma_start3A_392 : memref<28672xf32, #tpu.memory_space<vmem>>) target_semaphore(%arg13 : memref<!tpu.dma_semaphore, #tpu.memory_space<semaphore_mem>>)
        } else {
        }
      } else {
      }
      %jit3A_197 = arith.constant 2 : i32
      %eq3A_198 = arith.constant 0 : i32
      %eq3A_199 = arith.cmpi eq, %jit3A_197, %eq3A_198 : i32
      %jit3A_200 = arith.constant 1 : i32
      %select_n3A_201 = arith.select %eq3A_199, %jit3A_200, %jit3A_197 : i32
      %rem3A_202 = arith.remsi %while3A_117, %select_n3A_201 : i32
      %ne3A_203 = arith.constant 0 : i32
      %ne3A_204 = arith.cmpi ne, %rem3A_202, %ne3A_203 : i32
      %lt3A_205 = arith.constant 0 : i32
      %lt3A_206 = arith.cmpi slt, %rem3A_202, %lt3A_205 : i32
      %lt3A_207 = arith.constant 0 : i32
      %lt3A_208 = arith.cmpi slt, %select_n3A_201, %lt3A_207 : i32
      %ne3A_209 = arith.xori %lt3A_206, %lt3A_208 : i1
      %and3A_210 = arith.andi %ne3A_209, %ne3A_204 : i1
      %add3A_211 = arith.addi %rem3A_202, %select_n3A_201 : i32
      %select_n3A_212 = arith.select %and3A_210, %add3A_211, %rem3A_202 : i32
      %mul3A_213 = arith.constant 28672 : i32
      %mul3A_214 = arith.muli %select_n3A_212, %mul3A_213 : i32
      %gt3A = arith.cmpi sgt, %while3A_117, %mul3A_2 : i32
      %convert_element_type3A_215 = arith.extui %gt3A : i1 to i32
      %cond3A_216 = arith.constant 0 : i32
      %cond3A_217 = arith.cmpi ne, %convert_element_type3A_215, %cond3A_216 : i32
      scf.if %cond3A_217 {
        %dma_wait3A_289 = arith.constant 0 : i32
        %dma_wait3A_290 = tpu.memref_slice %arg12[%dma_wait3A_289] : memref<14400xf32, #tpu.memory_space<vmem>> -> memref<7200xf32, #tpu.memory_space<vmem>>
        %dma_wait3A_291 = arith.constant 0 : i32
        %dma_wait3A_292 = tpu.memref_slice %arg8[%dma_wait3A_291] : memref<58060800xf32, #tpu.memory_space<hbm>> -> memref<7200xf32, #tpu.memory_space<hbm>>
        %dma_wait3A_293 = arith.constant 0 : i32
        %dma_wait3A_294 = tpu.memref_slice %arg8[%dma_wait3A_293] : memref<58060800xf32, #tpu.memory_space<hbm>> -> memref<7200xf32, #tpu.memory_space<hbm>>
        %dma_wait3A_295 = arith.constant 0 : i32
        %dma_wait3A_296 = tpu.memref_slice %arg12[%dma_wait3A_295] : memref<14400xf32, #tpu.memory_space<vmem>> -> memref<7200xf32, #tpu.memory_space<vmem>>
        tpu.wait_dma2 semaphore(%arg14 : memref<!tpu.dma_semaphore, #tpu.memory_space<semaphore_mem>>) src(%dma_wait3A_296 : memref<7200xf32, #tpu.memory_space<vmem>>) dst(%dma_wait3A_294 : memref<7200xf32, #tpu.memory_space<hbm>>)
      } else {
      }
      %parallel_loop3A = arith.constant 0 : i32
      %parallel_loop3A_218 = arith.constant 450 : i32
      %parallel_loop3A_219 = arith.constant 1 : i32
      scf.for %parallel_loop3A_289 = %parallel_loop3A to %parallel_loop3A_218 step %parallel_loop3A_219  : i32 {
        %parallel_loop3A_290 = arith.constant 16 : i32
        %parallel_loop3A_291 = arith.muli %parallel_loop3A_289, %parallel_loop3A_290 : i32
        %parallel_loop3A_292 = arith.constant 0 : i32
        %parallel_loop3A_293 = arith.addi %parallel_loop3A_292, %parallel_loop3A_291 : i32
        %parallel_loop3A_294 = arith.index_cast %parallel_loop3A_293 : i32 to index
        %parallel_loop3A_295 = tpu.vector_load %arg9[%parallel_loop3A_294] {strides = array<i32>} : memref<28800xi32, #tpu.memory_space<vmem>>, vector<16xi32>,
        %parallel_loop3A_296 = tpu.memref_slice %arg11[%mul3A_214] : memref<57344xf32, #tpu.memory_space<vmem>> -> memref<28672xf32, #tpu.memory_space<vmem>>
        %parallel_loop3A_297 = tpu.vector_load_idx %parallel_loop3A_296[%parallel_loop3A_295] : memref<28672xf32, #tpu.memory_space<vmem>>[vector<16xi32>], vector<16xf32>,
        %parallel_loop3A_298 = arith.index_cast %parallel_loop3A_293 : i32 to index
        %parallel_loop3A_299 = tpu.vector_load %arg10[%parallel_loop3A_298] {strides = array<i32>} : memref<28800xf32, #tpu.memory_space<vmem>>, vector<16xf32>,
        %parallel_loop3A_300 = arith.mulf %parallel_loop3A_297, %parallel_loop3A_299 : vector<16xf32>
        %parallel_loop3A_301 = arith.constant 0 : i32
        %parallel_loop3A_302 = arith.addi %parallel_loop3A_301, %parallel_loop3A_291 : i32
        %parallel_loop3A_303 = arith.index_cast %parallel_loop3A_302 : i32 to index
        %parallel_loop3A_304 = tpu.vector_load %arg12[%parallel_loop3A_303] {strides = array<i32>} : memref<14400xf32, #tpu.memory_space<vmem>>, vector<16xf32>,
        tpu.vector_store %arg12[%parallel_loop3A_303], %parallel_loop3A_300 {strides = array<i32>} : memref<14400xf32, #tpu.memory_space<vmem>>, vector<16xf32>,
      } {sc.loop_unroll_factor = 10 : i64, sc.parallel_access}
      %mul3A_220 = arith.constant 28800 : i32
      %mul3A_221 = arith.muli %while3A_117, %mul3A_220 : i32
      %add3A_222 = arith.constant 0 : i32
      %add3A_223 = arith.addi %mul3A_221, %add3A_222 : i32
      %dma_start3A = arith.constant 0 : i32
      %dma_start3A_224 = tpu.memref_slice %arg12[%dma_start3A] : memref<14400xf32, #tpu.memory_space<vmem>> -> memref<7200xf32, #tpu.memory_space<vmem>>
      %dma_start3A_225 = tpu.memref_slice %arg8[%add3A_223] : memref<58060800xf32, #tpu.memory_space<hbm>> -> memref<7200xf32, #tpu.memory_space<hbm>>
      %dma_start3A_226 = tpu.memref_slice %arg8[%add3A_223] : memref<58060800xf32, #tpu.memory_space<hbm>> -> memref<7200xf32, #tpu.memory_space<hbm>>
      %dma_start3A_227 = arith.constant 0 : i32
      %dma_start3A_228 = tpu.memref_slice %arg12[%dma_start3A_227] : memref<14400xf32, #tpu.memory_space<vmem>> -> memref<7200xf32, #tpu.memory_space<vmem>>
      tpu.enqueue_dma source(%dma_start3A_228 : memref<7200xf32, #tpu.memory_space<vmem>>) target(%dma_start3A_226 : memref<7200xf32, #tpu.memory_space<hbm>>) target_semaphore(%arg14 : memref<!tpu.dma_semaphore, #tpu.memory_space<semaphore_mem>>)
      %gt3A_229 = arith.cmpi sgt, %while3A_117, %mul3A_2 : i32
      %convert_element_type3A_230 = arith.extui %gt3A_229 : i1 to i32
      %cond3A_231 = arith.constant 0 : i32
      %cond3A_232 = arith.cmpi ne, %convert_element_type3A_230, %cond3A_231 : i32
      scf.if %cond3A_232 {
        %dma_wait3A_289 = arith.constant 0 : i32
        %dma_wait3A_290 = tpu.memref_slice %arg12[%dma_wait3A_289] : memref<14400xf32, #tpu.memory_space<vmem>> -> memref<7200xf32, #tpu.memory_space<vmem>>
        %dma_wait3A_291 = arith.constant 0 : i32
        %dma_wait3A_292 = tpu.memref_slice %arg8[%dma_wait3A_291] : memref<58060800xf32, #tpu.memory_space<hbm>> -> memref<7200xf32, #tpu.memory_space<hbm>>
        %dma_wait3A_293 = arith.constant 0 : i32
        %dma_wait3A_294 = tpu.memref_slice %arg8[%dma_wait3A_293] : memref<58060800xf32, #tpu.memory_space<hbm>> -> memref<7200xf32, #tpu.memory_space<hbm>>
        %dma_wait3A_295 = arith.constant 0 : i32
        %dma_wait3A_296 = tpu.memref_slice %arg12[%dma_wait3A_295] : memref<14400xf32, #tpu.memory_space<vmem>> -> memref<7200xf32, #tpu.memory_space<vmem>>
        tpu.wait_dma2 semaphore(%arg15 : memref<!tpu.dma_semaphore, #tpu.memory_space<semaphore_mem>>) src(%dma_wait3A_296 : memref<7200xf32, #tpu.memory_space<vmem>>) dst(%dma_wait3A_294 : memref<7200xf32, #tpu.memory_space<hbm>>)
      } else {
      }
      %parallel_loop3A_233 = arith.constant 0 : i32
      %parallel_loop3A_234 = arith.constant 450 : i32
      %parallel_loop3A_235 = arith.constant 1 : i32
      scf.for %parallel_loop3A_289 = %parallel_loop3A_233 to %parallel_loop3A_234 step %parallel_loop3A_235  : i32 {
        %parallel_loop3A_290 = arith.constant 16 : i32
        %parallel_loop3A_291 = arith.muli %parallel_loop3A_289, %parallel_loop3A_290 : i32
        %parallel_loop3A_292 = arith.constant 7200 : i32
        %parallel_loop3A_293 = arith.addi %parallel_loop3A_292, %parallel_loop3A_291 : i32
        %parallel_loop3A_294 = arith.index_cast %parallel_loop3A_293 : i32 to index
        %parallel_loop3A_295 = tpu.vector_load %arg9[%parallel_loop3A_294] {strides = array<i32>} : memref<28800xi32, #tpu.memory_space<vmem>>, vector<16xi32>,
        %parallel_loop3A_296 = tpu.memref_slice %arg11[%mul3A_214] : memref<57344xf32, #tpu.memory_space<vmem>> -> memref<28672xf32, #tpu.memory_space<vmem>>
        %parallel_loop3A_297 = tpu.vector_load_idx %parallel_loop3A_296[%parallel_loop3A_295] : memref<28672xf32, #tpu.memory_space<vmem>>[vector<16xi32>], vector<16xf32>,
        %parallel_loop3A_298 = arith.index_cast %parallel_loop3A_293 : i32 to index
        %parallel_loop3A_299 = tpu.vector_load %arg10[%parallel_loop3A_298] {strides = array<i32>} : memref<28800xf32, #tpu.memory_space<vmem>>, vector<16xf32>,
        %parallel_loop3A_300 = arith.mulf %parallel_loop3A_297, %parallel_loop3A_299 : vector<16xf32>
        %parallel_loop3A_301 = arith.constant 7200 : i32
        %parallel_loop3A_302 = arith.addi %parallel_loop3A_301, %parallel_loop3A_291 : i32
        %parallel_loop3A_303 = arith.index_cast %parallel_loop3A_302 : i32 to index
        %parallel_loop3A_304 = tpu.vector_load %arg12[%parallel_loop3A_303] {strides = array<i32>} : memref<14400xf32, #tpu.memory_space<vmem>>, vector<16xf32>,
        tpu.vector_store %arg12[%parallel_loop3A_303], %parallel_loop3A_300 {strides = array<i32>} : memref<14400xf32, #tpu.memory_space<vmem>>, vector<16xf32>,
      } {sc.loop_unroll_factor = 10 : i64, sc.parallel_access}
      %mul3A_236 = arith.constant 28800 : i32
      %mul3A_237 = arith.muli %while3A_117, %mul3A_236 : i32
      %add3A_238 = arith.constant 7200 : i32
      %add3A_239 = arith.addi %mul3A_237, %add3A_238 : i32
      %dma_start3A_240 = arith.constant 7200 : i32
      %dma_start3A_241 = tpu.memref_slice %arg12[%dma_start3A_240] : memref<14400xf32, #tpu.memory_space<vmem>> -> memref<7200xf32, #tpu.memory_space<vmem>>
      %dma_start3A_242 = tpu.memref_slice %arg8[%add3A_239] : memref<58060800xf32, #tpu.memory_space<hbm>> -> memref<7200xf32, #tpu.memory_space<hbm>>
      %dma_start3A_243 = tpu.memref_slice %arg8[%add3A_239] : memref<58060800xf32, #tpu.memory_space<hbm>> -> memref<7200xf32, #tpu.memory_space<hbm>>
      %dma_start3A_244 = arith.constant 7200 : i32
      %dma_start3A_245 = tpu.memref_slice %arg12[%dma_start3A_244] : memref<14400xf32, #tpu.memory_space<vmem>> -> memref<7200xf32, #tpu.memory_space<vmem>>
      tpu.enqueue_dma source(%dma_start3A_245 : memref<7200xf32, #tpu.memory_space<vmem>>) target(%dma_start3A_243 : memref<7200xf32, #tpu.memory_space<hbm>>) target_semaphore(%arg15 : memref<!tpu.dma_semaphore, #tpu.memory_space<semaphore_mem>>)
      %dma_wait3A_246 = arith.constant 0 : i32
      %dma_wait3A_247 = tpu.memref_slice %arg12[%dma_wait3A_246] : memref<14400xf32, #tpu.memory_space<vmem>> -> memref<7200xf32, #tpu.memory_space<vmem>>
      %dma_wait3A_248 = arith.constant 0 : i32
      %dma_wait3A_249 = tpu.memref_slice %arg8[%dma_wait3A_248] : memref<58060800xf32, #tpu.memory_space<hbm>> -> memref<7200xf32, #tpu.memory_space<hbm>>
      %dma_wait3A_250 = arith.constant 0 : i32
      %dma_wait3A_251 = tpu.memref_slice %arg8[%dma_wait3A_250] : memref<58060800xf32, #tpu.memory_space<hbm>> -> memref<7200xf32, #tpu.memory_space<hbm>>
      %dma_wait3A_252 = arith.constant 0 : i32
      %dma_wait3A_253 = tpu.memref_slice %arg12[%dma_wait3A_252] : memref<14400xf32, #tpu.memory_space<vmem>> -> memref<7200xf32, #tpu.memory_space<vmem>>
      tpu.wait_dma2 semaphore(%arg14 : memref<!tpu.dma_semaphore, #tpu.memory_space<semaphore_mem>>) src(%dma_wait3A_253 : memref<7200xf32, #tpu.memory_space<vmem>>) dst(%dma_wait3A_251 : memref<7200xf32, #tpu.memory_space<hbm>>)
      %parallel_loop3A_254 = arith.constant 0 : i32
      %parallel_loop3A_255 = arith.constant 450 : i32
      %parallel_loop3A_256 = arith.constant 1 : i32
      scf.for %parallel_loop3A_289 = %parallel_loop3A_254 to %parallel_loop3A_255 step %parallel_loop3A_256  : i32 {
        %parallel_loop3A_290 = arith.constant 16 : i32
        %parallel_loop3A_291 = arith.muli %parallel_loop3A_289, %parallel_loop3A_290 : i32
        %parallel_loop3A_292 = arith.constant 14400 : i32
        %parallel_loop3A_293 = arith.addi %parallel_loop3A_292, %parallel_loop3A_291 : i32
        %parallel_loop3A_294 = arith.index_cast %parallel_loop3A_293 : i32 to index
        %parallel_loop3A_295 = tpu.vector_load %arg9[%parallel_loop3A_294] {strides = array<i32>} : memref<28800xi32, #tpu.memory_space<vmem>>, vector<16xi32>,
        %parallel_loop3A_296 = tpu.memref_slice %arg11[%mul3A_214] : memref<57344xf32, #tpu.memory_space<vmem>> -> memref<28672xf32, #tpu.memory_space<vmem>>
        %parallel_loop3A_297 = tpu.vector_load_idx %parallel_loop3A_296[%parallel_loop3A_295] : memref<28672xf32, #tpu.memory_space<vmem>>[vector<16xi32>], vector<16xf32>,
        %parallel_loop3A_298 = arith.index_cast %parallel_loop3A_293 : i32 to index
        %parallel_loop3A_299 = tpu.vector_load %arg10[%parallel_loop3A_298] {strides = array<i32>} : memref<28800xf32, #tpu.memory_space<vmem>>, vector<16xf32>,
        %parallel_loop3A_300 = arith.mulf %parallel_loop3A_297, %parallel_loop3A_299 : vector<16xf32>
        %parallel_loop3A_301 = arith.constant 0 : i32
        %parallel_loop3A_302 = arith.addi %parallel_loop3A_301, %parallel_loop3A_291 : i32
        %parallel_loop3A_303 = arith.index_cast %parallel_loop3A_302 : i32 to index
        %parallel_loop3A_304 = tpu.vector_load %arg12[%parallel_loop3A_303] {strides = array<i32>} : memref<14400xf32, #tpu.memory_space<vmem>>, vector<16xf32>,
        tpu.vector_store %arg12[%parallel_loop3A_303], %parallel_loop3A_300 {strides = array<i32>} : memref<14400xf32, #tpu.memory_space<vmem>>, vector<16xf32>,
      } {sc.loop_unroll_factor = 10 : i64, sc.parallel_access}
      %mul3A_257 = arith.constant 28800 : i32
      %mul3A_258 = arith.muli %while3A_117, %mul3A_257 : i32
      %add3A_259 = arith.constant 14400 : i32
      %add3A_260 = arith.addi %mul3A_258, %add3A_259 : i32
      %dma_start3A_261 = arith.constant 0 : i32
      %dma_start3A_262 = tpu.memref_slice %arg12[%dma_start3A_261] : memref<14400xf32, #tpu.memory_space<vmem>> -> memref<7200xf32, #tpu.memory_space<vmem>>
      %dma_start3A_263 = tpu.memref_slice %arg8[%add3A_260] : memref<58060800xf32, #tpu.memory_space<hbm>> -> memref<7200xf32, #tpu.memory_space<hbm>>
      %dma_start3A_264 = tpu.memref_slice %arg8[%add3A_260] : memref<58060800xf32, #tpu.memory_space<hbm>> -> memref<7200xf32, #tpu.memory_space<hbm>>
      %dma_start3A_265 = arith.constant 0 : i32
      %dma_start3A_266 = tpu.memref_slice %arg12[%dma_start3A_265] : memref<14400xf32, #tpu.memory_space<vmem>> -> memref<7200xf32, #tpu.memory_space<vmem>>
      tpu.enqueue_dma source(%dma_start3A_266 : memref<7200xf32, #tpu.memory_space<vmem>>) target(%dma_start3A_264 : memref<7200xf32, #tpu.memory_space<hbm>>) target_semaphore(%arg14 : memref<!tpu.dma_semaphore, #tpu.memory_space<semaphore_mem>>)
      %dma_wait3A_267 = arith.constant 0 : i32
      %dma_wait3A_268 = tpu.memref_slice %arg12[%dma_wait3A_267] : memref<14400xf32, #tpu.memory_space<vmem>> -> memref<7200xf32, #tpu.memory_space<vmem>>
      %dma_wait3A_269 = arith.constant 0 : i32
      %dma_wait3A_270 = tpu.memref_slice %arg8[%dma_wait3A_269] : memref<58060800xf32, #tpu.memory_space<hbm>> -> memref<7200xf32, #tpu.memory_space<hbm>>
      %dma_wait3A_271 = arith.constant 0 : i32
      %dma_wait3A_272 = tpu.memref_slice %arg8[%dma_wait3A_271] : memref<58060800xf32, #tpu.memory_space<hbm>> -> memref<7200xf32, #tpu.memory_space<hbm>>
      %dma_wait3A_273 = arith.constant 0 : i32
      %dma_wait3A_274 = tpu.memref_slice %arg12[%dma_wait3A_273] : memref<14400xf32, #tpu.memory_space<vmem>> -> memref<7200xf32, #tpu.memory_space<vmem>>
      tpu.wait_dma2 semaphore(%arg15 : memref<!tpu.dma_semaphore, #tpu.memory_space<semaphore_mem>>) src(%dma_wait3A_274 : memref<7200xf32, #tpu.memory_space<vmem>>) dst(%dma_wait3A_272 : memref<7200xf32, #tpu.memory_space<hbm>>)
      %parallel_loop3A_275 = arith.constant 0 : i32
      %parallel_loop3A_276 = arith.constant 450 : i32
      %parallel_loop3A_277 = arith.constant 1 : i32
      scf.for %parallel_loop3A_289 = %parallel_loop3A_275 to %parallel_loop3A_276 step %parallel_loop3A_277  : i32 {
        %parallel_loop3A_290 = arith.constant 16 : i32
        %parallel_loop3A_291 = arith.muli %parallel_loop3A_289, %parallel_loop3A_290 : i32
        %parallel_loop3A_292 = arith.constant 21600 : i32
        %parallel_loop3A_293 = arith.addi %parallel_loop3A_292, %parallel_loop3A_291 : i32
        %parallel_loop3A_294 = arith.index_cast %parallel_loop3A_293 : i32 to index
        %parallel_loop3A_295 = tpu.vector_load %arg9[%parallel_loop3A_294] {strides = array<i32>} : memref<28800xi32, #tpu.memory_space<vmem>>, vector<16xi32>,
        %parallel_loop3A_296 = tpu.memref_slice %arg11[%mul3A_214] : memref<57344xf32, #tpu.memory_space<vmem>> -> memref<28672xf32, #tpu.memory_space<vmem>>
        %parallel_loop3A_297 = tpu.vector_load_idx %parallel_loop3A_296[%parallel_loop3A_295] : memref<28672xf32, #tpu.memory_space<vmem>>[vector<16xi32>], vector<16xf32>,
        %parallel_loop3A_298 = arith.index_cast %parallel_loop3A_293 : i32 to index
        %parallel_loop3A_299 = tpu.vector_load %arg10[%parallel_loop3A_298] {strides = array<i32>} : memref<28800xf32, #tpu.memory_space<vmem>>, vector<16xf32>,
        %parallel_loop3A_300 = arith.mulf %parallel_loop3A_297, %parallel_loop3A_299 : vector<16xf32>
        %parallel_loop3A_301 = arith.constant 7200 : i32
        %parallel_loop3A_302 = arith.addi %parallel_loop3A_301, %parallel_loop3A_291 : i32
        %parallel_loop3A_303 = arith.index_cast %parallel_loop3A_302 : i32 to index
        %parallel_loop3A_304 = tpu.vector_load %arg12[%parallel_loop3A_303] {strides = array<i32>} : memref<14400xf32, #tpu.memory_space<vmem>>, vector<16xf32>,
        tpu.vector_store %arg12[%parallel_loop3A_303], %parallel_loop3A_300 {strides = array<i32>} : memref<14400xf32, #tpu.memory_space<vmem>>, vector<16xf32>,
      } {sc.loop_unroll_factor = 10 : i64, sc.parallel_access}
      %mul3A_278 = arith.constant 28800 : i32
      %mul3A_279 = arith.muli %while3A_117, %mul3A_278 : i32
      %add3A_280 = arith.constant 21600 : i32
      %add3A_281 = arith.addi %mul3A_279, %add3A_280 : i32
      %dma_start3A_282 = arith.constant 7200 : i32
      %dma_start3A_283 = tpu.memref_slice %arg12[%dma_start3A_282] : memref<14400xf32, #tpu.memory_space<vmem>> -> memref<7200xf32, #tpu.memory_space<vmem>>
      %dma_start3A_284 = tpu.memref_slice %arg8[%add3A_281] : memref<58060800xf32, #tpu.memory_space<hbm>> -> memref<7200xf32, #tpu.memory_space<hbm>>
      %dma_start3A_285 = tpu.memref_slice %arg8[%add3A_281] : memref<58060800xf32, #tpu.memory_space<hbm>> -> memref<7200xf32, #tpu.memory_space<hbm>>
      %dma_start3A_286 = arith.constant 7200 : i32
      %dma_start3A_287 = tpu.memref_slice %arg12[%dma_start3A_286] : memref<14400xf32, #tpu.memory_space<vmem>> -> memref<7200xf32, #tpu.memory_space<vmem>>
      tpu.enqueue_dma source(%dma_start3A_287 : memref<7200xf32, #tpu.memory_space<vmem>>) target(%dma_start3A_285 : memref<7200xf32, #tpu.memory_space<hbm>>) target_semaphore(%arg15 : memref<!tpu.dma_semaphore, #tpu.memory_space<semaphore_mem>>)
      %while3A_288 = arith.constant 0 : i32
      scf.yield %while3A_288 : i32
    }
    %dma_wait3A = arith.constant 0 : i32
    %dma_wait3A_102 = tpu.memref_slice %arg12[%dma_wait3A] : memref<14400xf32, #tpu.memory_space<vmem>> -> memref<7200xf32, #tpu.memory_space<vmem>>
    %dma_wait3A_103 = arith.constant 0 : i32
    %dma_wait3A_104 = tpu.memref_slice %arg8[%dma_wait3A_103] : memref<58060800xf32, #tpu.memory_space<hbm>> -> memref<7200xf32, #tpu.memory_space<hbm>>
    %dma_wait3A_105 = arith.constant 0 : i32
    %dma_wait3A_106 = tpu.memref_slice %arg8[%dma_wait3A_105] : memref<58060800xf32, #tpu.memory_space<hbm>> -> memref<7200xf32, #tpu.memory_space<hbm>>
    %dma_wait3A_107 = arith.constant 0 : i32
    %dma_wait3A_108 = tpu.memref_slice %arg12[%dma_wait3A_107] : memref<14400xf32, #tpu.memory_space<vmem>> -> memref<7200xf32, #tpu.memory_space<vmem>>
    tpu.wait_dma2 semaphore(%arg14 : memref<!tpu.dma_semaphore, #tpu.memory_space<semaphore_mem>>) src(%dma_wait3A_108 : memref<7200xf32, #tpu.memory_space<vmem>>) dst(%dma_wait3A_106 : memref<7200xf32, #tpu.memory_space<hbm>>)
    %dma_wait3A_109 = arith.constant 0 : i32
    %dma_wait3A_110 = tpu.memref_slice %arg12[%dma_wait3A_109] : memref<14400xf32, #tpu.memory_space<vmem>> -> memref<7200xf32, #tpu.memory_space<vmem>>
    %dma_wait3A_111 = arith.constant 0 : i32
    %dma_wait3A_112 = tpu.memref_slice %arg8[%dma_wait3A_111] : memref<58060800xf32, #tpu.memory_space<hbm>> -> memref<7200xf32, #tpu.memory_space<hbm>>
    %dma_wait3A_113 = arith.constant 0 : i32
    %dma_wait3A_114 = tpu.memref_slice %arg8[%dma_wait3A_113] : memref<58060800xf32, #tpu.memory_space<hbm>> -> memref<7200xf32, #tpu.memory_space<hbm>>
    %dma_wait3A_115 = arith.constant 0 : i32
    %dma_wait3A_116 = tpu.memref_slice %arg12[%dma_wait3A_115] : memref<14400xf32, #tpu.memory_space<vmem>> -> memref<7200xf32, #tpu.memory_space<vmem>>
    tpu.wait_dma2 semaphore(%arg15 : memref<!tpu.dma_semaphore, #tpu.memory_space<semaphore_mem>>) src(%dma_wait3A_116 : memref<7200xf32, #tpu.memory_space<vmem>>) dst(%dma_wait3A_114 : memref<7200xf32, #tpu.memory_space<hbm>>)
    return
  }
}

</mosaic_0001>

<sc_bundles>
// kernel: _run.3.cloned.1.call-start
scs
__scs_entry_jumppad:
0x0: {  	(pc) =	sbr.rel $0x88, $3  }
0x1: {  	(tag) =	ssettag $0x0;
	lr =	simm.s32 $0x1  }
0x2: {  	[smem:$0x3F9B] =	sst lr;
	_ =	strace $0xD0000000  }
0x3: {  	_ = 	snop  }
0x4: {  	_ = 	snop  }
0x5: {  	_ = 	snop  }
0x6: {  	_ = 	snop  }
0x7: {  	_ = 	snop  }
__scs_overlays_trampoline_lowered:
0x8: {  	[smem:$0x3FAA] =	sst s0  }
0x9: {  	[smem:$0x3FAB] =	sst s1  }
0xa: {  	[smem:$0x3FAC] =	sst s2  }
0xb: {  	[smem:$0x3FAD] =	sst s3  }
0xc: {  	[smem:$0x3FAE] =	sst s4  }
0xd: {  	[smem:$0x3FAF] =	sst s5  }
0xe: {  	[smem:$0x3FB0] =	sst s6  }
0xf: {  	[smem:$0x3FB1] =	sst s7  }
0x10: {  	[smem:$0x3FB2] =	sst s8  }
0x11: {  	[smem:$0x3FB3] =	sst s9;
	s0 =	simm.s32 @!p0 $0x0  }
0x12: {  	s1 =	sld [smem:$0x3F99];
	s0 =	simm.s32 @p0 $0x1  }
0x13: {  	[smem:$0x3FB4] =	sst s0;
	s0 =	simm.s32 @!p1 $0x0  }
0x14: {  	s2 =	sld [smem:$0x3F98];
	s0 =	simm.s32 @p1 $0x1  }
0x15: {  	[smem:$0x3FB5] =	sst s0;
	s0 =	simm.s32 @!p2 $0x0  }
0x16: {  	s3 =	sld [smem:$0x3FDB];
	s0 =	simm.s32 @p2 $0x1  }
0x17: {  	s4 =	simm.s32 $0x1BF5;
	[smem:$0x3FB7] =	sst s0  }
0x18: {  	s0 =	sld [smem:$0x3F9A];
	_ =	swait.ge [sflag:s4], $0x0  }
0x19: {  	s7 =	sld [smem:$0x3F9B]  }
0x1a: {  	s8 =	sadd.s32 $0xFFFFE003, lr  }
0x1b: {  	s9 =	sadd.s32 $0xFFFFFEF7, lr;
	s5 =	simm.s32 $0xFFFFFFFF;
	p2 =	slt.u32 s8, $0xFFFFF086  }
0x1c: {  	p1 =	slt.u32 s9, $0xF7A;
	s5 =	simm.s32 @!p2 $0x0  }
0x1d: {  	s5 =	simm.s32 @p1 $0x1;
	p0 =	seq.s32 s7, s2  }
0x1e: {  	s7 =	smul.u32 @!p0 $0xF7A, s2;
	p2 =	seq.s32 @!p0 s5, $0x0  }
0x1f: {  	s9 =	smul.u32 $0xF7A, s1;
	s8 =	simm.s32 @!p0 $0x1BF5;
	p2 =	por !p2, p0  }
0x20: {  	[sflag:s8] =	ssyncset.s32 @!p0 $0xFFFFF086;
	s6 =	sadd.s32 @!p0 s3, s7;
	s7 =	simm.s32 @!p0 $0x108  }
0x21: {  	s3 =	sadd.s32 s3, s9;
	s6 =	sadd.s32 @!p0 $0x88, s6;
	s7 =	simm.s32 @p2 $0x1082  }
0x22: {  	[simem:s7], [sflag:s8] =	dma.local @!p0 [hbm:s6], $0xF7A  }
0x23: {  	s9 =	sor.u32 $0xD0000000, s2;
	s6 =	simm.s32 $0x108;
	_ =	swait.ge @!p0 [sflag:s8], $0x0  }
0x24: {  	s3 =	sadd.s32 $0x88, s3;
	s6 =	simm.s32 @!p1 $0x1082;
	[sflag:s4] =	ssyncset.s32 $0xFFFFF086  }
0x25: {  	[simem:s6], [sflag:s4] =	dma.local [hbm:s3], $0xF7A  }
0x26: {  	[smem:$0x3F9B] =	sst s1;
	(tag) =	ssettag s2;
	_ =	strace s9  }
0x27: {  	s1 =	sld [smem:$0x3FAB]  }
0x28: {  	s2 =	sld [smem:$0x3FAC]  }
0x29: {  	s4 =	sld [smem:$0x3FAE]  }
0x2a: {  	p0 =	seq.s32 s5, $0x0;
	s5 =	sld [smem:$0x3FAF]  }
0x2b: {  	s6 =	sld [smem:$0x3FB0]  }
0x2c: {  	s7 =	sld [smem:$0x3FB1]  }
0x2d: {  	s3 =	simm.s32 $0x108;
	s8 =	sld [smem:$0x3FB2]  }
0x2e: {  	s3 =	simm.s32 @!p0 $0x1082;
	s9 =	sld [smem:$0x3FB3]  }
0x2f: {  	lr =	sadd.s32 s0, s3;
	s0 =	sld [smem:$0x3FAA]  }
0x30: {  	s3 =	sld [smem:$0x3FAD]  }
0x31: {  	[smem:$0x3FB6] =	sst s10  }
0x32: {  	s10 =	sld [smem:$0x3FB4];
	_ =	sdelay $0x3  }
0x33: {  	p0 =	seq.s32 s10, $0x1;
	s10 =	sld [smem:$0x3FB6];
	_ =	sdelay $0x3  }
0x34: {  	[smem:$0x3FB6] =	sst s10  }
0x35: {  	s10 =	sld [smem:$0x3FB5];
	_ =	sdelay $0x3  }
0x36: {  	p1 =	seq.s32 s10, $0x1;
	s10 =	sld [smem:$0x3FB6];
	_ =	sdelay $0x3  }
0x37: {  	[smem:$0x3FB6] =	sst s10  }
0x38: {  	s10 =	sld [smem:$0x3FB7]  }
0x39: {  	_ = 	snop;
	(pc) =	sbr.ind lr, $3  }
0x3a: {  	_ = 	snop  }
0x3b: {  	_ = 	snop  }
0x3c: {  	p2 =	seq.s32 s10, $0x1;
	s10 =	sld [smem:$0x3FB6]  }
0x3d: {  	_ =	shalt  }
0x3e: {  	_ =	shalt  }
0x3f: {  	_ =	shalt  }
0x40: {  	_ =	shalt  }
0x41: {  	_ =	shalt  }
0x42: {  	_ =	shalt  }
0x43: {  	_ =	shalt  }
0x44: {  	_ =	shalt  }
0x45: {  	_ =	shalt  }
0x46: {  	_ =	shalt  }
0x47: {  	_ =	shalt  }
0x48: {  	_ =	shalt  }
0x49: {  	_ =	shalt  }
0x4a: {  	_ =	shalt  }
0x4b: {  	_ =	shalt  }
0x4c: {  	_ =	shalt  }
0x4d: {  	_ =	shalt  }
0x4e: {  	_ =	shalt  }
0x4f: {  	_ =	shalt  }
0x50: {  	_ =	shalt  }
0x51: {  	_ =	shalt  }
0x52: {  	_ =	shalt  }
0x53: {  	_ =	shalt  }
0x54: {  	_ =	shalt  }
0x55: {  	_ =	shalt  }
0x56: {  	_ =	shalt  }
0x57: {  	_ =	shalt  }
0x58: {  	_ =	shalt  }
0x59: {  	_ =	shalt  }
0x5a: {  	_ =	shalt  }
0x5b: {  	_ =	shalt  }
0x5c: {  	_ =	shalt  }
0x5d: {  	_ =	shalt  }
0x5e: {  	_ =	shalt  }
0x5f: {  	_ =	shalt  }
0x60: {  	_ =	shalt  }
0x61: {  	_ =	shalt  }
0x62: {  	_ =	shalt  }
0x63: {  	_ =	shalt  }
0x64: {  	_ =	shalt  }
0x65: {  	_ =	shalt  }
0x66: {  	_ =	shalt  }
0x67: {  	_ =	shalt  }
0x68: {  	_ =	shalt  }
0x69: {  	_ =	shalt  }
0x6a: {  	_ =	shalt  }
0x6b: {  	_ =	shalt  }
0x6c: {  	_ =	shalt  }
0x6d: {  	_ =	shalt  }
0x6e: {  	_ =	shalt  }
0x6f: {  	_ =	shalt  }
0x70: {  	_ =	shalt  }
0x71: {  	_ =	shalt  }
0x72: {  	_ =	shalt  }
0x73: {  	_ =	shalt  }
0x74: {  	_ =	shalt  }
0x75: {  	_ =	shalt  }
0x76: {  	_ =	shalt  }
0x77: {  	_ =	shalt  }
0x78: {  	_ =	shalt  }
0x79: {  	_ =	shalt  }
0x7a: {  	_ =	shalt  }
0x7b: {  	_ =	shalt  }
0x7c: {  	_ =	shalt  }
0x7d: {  	_ =	shalt  }
0x7e: {  	_ =	shalt  }
0x7f: {  	_ =	shalt  }
0x80: {  	_ =	shalt  }
0x81: {  	_ =	shalt  }
0x82: {  	_ =	shalt  }
0x83: {  	_ =	shalt  }
0x84: {  	_ =	shalt  }
0x85: {  	_ =	shalt  }
0x86: {  	_ =	shalt  }
0x87: {  	_ =	shalt  }
.Lfunc_end0:
.L_simem_size_0:
called_computation_lowered:
.L_overlay_start_0:
0x88: {  	s2 =	sld [smem:$0x3FD9]  }
0x89: {  	s3 =	sld [smem:$0x3FFE];
	_ =	sdelay $0x1  }
0x8a: {  	s1 =	srdreg.scid  }
0x8b: {  	s0 =	sand.u32 $0x1, s1  }
0x8c: {  	s18 =	sshll.u32 s0, $0xA;
	s2 =	sadd.s32 s3, s2  }
0x8d: {  	s2 =	sadd.s32 s2, s18  }
0x8e: {  	[smem:$0x3FC2] =	sst s2  }
0x8f: {  	_ = 	snop  }
0x90: {  	s2 =	sld [smem:$0x3FC9]  }
0x91: {  	s19 =	sld [smem:$0x3FC8]  }
0x92: {  	s4 =	sld [smem:$0x3FC7]  }
0x93: {  	s5 =	sld [smem:$0x3FC6]  }
0x94: {  	s6 =	sld [smem:$0x3FC5]  }
0x95: {  	s7 =	sld [smem:$0x3FC4]  }
0x96: {  	s8 =	sld [smem:$0x3FD0];
	(tm) =	ssettm $0x1  }
0x97: {  	s9 =	sld [smem:$0x3FFB];
	_ =	sdelay $0x3  }
0x98: {  	_ =	strace s9  }
0x99: {  	s9 =	sld [smem:$0x3FFC];
	_ =	sdelay $0x3  }
0x9a: {  	_ =	strace s9  }
0x9b: {  	s9 =	sld [smem:$0x3FFD];
	_ =	sdelay $0x3  }
0x9c: {  	_ =	strace s9  }
0x9d: {  	_ =	strace $0x8FFFFFFF  }
0x9e: {  	s20 =	sld [smem:$0x3FDB];
	_ =	sdelay $0x1  }
0x9f: {  	s10 =	simm.s32 $_scs_section_size  }
0xa0: {  	s11 =	simm.s32 $_size__tile_overlayer_lowered;
	s12 =	simm.s32 $_tile_overlayer_lowered  }
0xa1: {  	s23 =	simm.s32 $0x1BFF;
	s22 =	sshll.u32 s12, $0x1;
	s9 =	sadd.s32 s10, s20  }
0xa2: {  	s13 =	simm.s32 $0x0;
	s21 =	sshll.u32 s11, $0x1;
	s11 =	sadd.s32 s22, s9  }
0xa3: {  	[timem:s13], [sflag:s23] =	dma.local [hbm:s11], s21  }
0xa4: {  	_ =	swait.ge [sflag:s23], s21  }
0xa5: {  	s10 =	ssub.s32 $0x0, s21;
	[sflag:s23] =	ssyncset.done $0x0  }
0xa6: {  	[sflag:s23] =	ssyncadd.s32 s10;
	_ =	sdelay $0x1  }
0xa7: {  	s24 =	simm.s32 $0x1B8B  }
0xa8: {  	_ =	swait.ge [sflag:s24], $0x1  }
0xa9: {  	[sflag:s24] =	ssyncset.done $0x0  }
0xaa: {  	s25 =	simm.s32 $0x1B8E;
	[sflag:s24] =	ssyncadd.s32 $0xFFFFFFFF  }
0xab: {  	s26 =	simm.s32 $execute0_lowered;
	[smem:$0x3FD2] =	sst s25  }
0xac: {  	s10 =	sshll.u32 s26, $0x1;
	_ =	strace $0x80000046;
	[dreg:$0x1] =	wrdreg $0xFFFFFFFF  }
0xad: {  	s28 =	simm.s32 $_size_execute0_lowered;
	s9 =	sadd.s32 s9, s10;
	[dreg:$0x0] =	wrdreg $0x0  }
0xae: {  	s10 =	sshll.u32 s28, $0x1;
	[dreg:$0x2] =	wrdreg s9  }
0xaf: {  	[dreg:$0x3] =	wrdreg s10  }
0xb0: {  	[dreg:$0x4] =	wrdreg $0xC0  }
0xb1: {  	_ =	task [dreg:s13], $0x5FFFF  }
0xb2: {  	[dreg:$0x1] =	wrdreg $0xFFFFFFFF  }
0xb3: {  	[dreg:$0x0] =	wrdreg $0x60  }
0xb4: {  	[dreg:$0x2] =	wrdreg s2  }
0xb5: {  	[dreg:$0x3] =	wrdreg s19  }
0xb6: {  	[dreg:$0x4] =	wrdreg s4  }
0xb7: {  	[dreg:$0x5] =	wrdreg s5  }
0xb8: {  	[dreg:$0x6] =	wrdreg s6  }
0xb9: {  	[dreg:$0x7] =	wrdreg s7  }
0xba: {  	[dreg:$0x8] =	wrdreg s8  }
0xbb: {  	[dreg:$0x9] =	wrdreg $0x9  }
0xbc: {  	_ =	task.clear_ibuf [dreg:s13], $0xAFFFF;
	_ =	strace $0x90000046  }
0xbd: {  	s29 =	simm.s32 $0x9;
	_ =	strace $0x80000048  }
0xbe: {  	_ =	swait.ge [sflag:s29], $0x1  }
0xbf: {  	[sflag:s29] =	ssyncadd.s32 $0xFFFFFFFF  }
0xc0: {  	_ =	strace $0x90000048  }
0xc1: {  	_ =	sfence  }
0xc2: {  	s30 =	sld [smem:$0x0];
	_ =	sdelay $0x2  }
0xc3: {  	s31 =	sshll.u32 s1, $0xD;
	s1 =	sshrl.u32 s1, $0x2  }
0xc4: {  	s3 =	sand.u32 $0x4000, s31;
	s1 =	sadd.s32 s1, s30  }
0xc5: {  	s0 =	sor.u32 s3, s0;
	s1 =	sshll.u32 s1, $0x11  }
0xc6: {  	s0 =	sor.u32 s1, s0  }
0xc7: {  	s0 =	sadd.s32 $0x8F2B, s0  }
0xc8: {  	[sflag:s0] =	ssyncadd.remote.s32 $0x1  }
0xc9: {  	_ =	sfence.sel $0xFFFF  }
0xca: {  	[dreg:$0x0] =	wrdreg $0xFFFFFFFF;
	(pc) =	sbr.abs _section_cstart, $3  }
0xcb: {  	[dreg:$0x1] =	wrdreg $0xFFFFFFFF  }
0xcc: {  	_ =	task.clear_ibuf [dreg:s13], $0x2FFFF;
	_ =	strace $0x9FFFFFFF  }
0xcd: {  	(tm) =	ssettm $0x7FFFFFFF  }
tec
execute0_lowered:
.L_overlay_start_1:
0x0: {  	(tag) =	ssettag $0x1  }
0x1: {  	s0 =	rddreg [dreg:$0x0]  }
0x2: {  	s1 =	rddreg [dreg:$0x1]  }
0x3: {  	s3 =	rddreg [dreg:$0x2]  }
0x4: {  	s4 =	rddreg [dreg:$0x3]  }
0x5: {  	s5 =	rddreg [dreg:$0x4]  }
0x6: {  	s2 =	srdreg.scid;
	s7 =	rddreg [dreg:$0x5]  }
0x7: {  	s14 =	stileid.u32;
	s8 =	rddreg [dreg:$0x6]  }
0x8: {  	s9 =	simm.s32 $0x0;
	s16 =	simm.s32 $0x7080;
	s17 =	simm.s32 $0x4  }
0x9: {  	s18 =	simm.s32 $0x1C100;
	s2 =	sand.u32 $0x1, s2;
	s6 =	sshll.u32 s14, $0x1  }
0xa: {  	s19 =	simm.s32 $0x1DD20;
	s20 =	simm.s32 $0x2;
	s6 =	sor.u32 s2, s6  }
0xb: {  	s21 =	simm.s32 $0x3;
	[smem:$0x7FF] =	sst s9;
	s11 =	smul.u32 $0x18027, s6  }
0xc: {  	p0 =	slt.u32 s14, $0x3;
	s14 =	simm.s32 $0x1;
	s2 =	ssub.s32 $0x2, s2  }
0xd: {  	_ =	strace $0x80000047;
	s13 =	sshrl.u32 s2, $0x1;
	s28 =	sshrl.u32 s11, $0x13  }
0xe: {  	s10 =	smul.u32 $0x3F, s6;
	s2 =	ssub.s32 s2, s13;
	s6 =	sand.u32 $0x1, s28  }
0xf: {  	s30 =	sshrl.u32 s11, $0x14;
	s12 =	smul.u32 $0x150, s28;
	p1 =	seq.s32 s6, $0x1  }
0x10: {  	s11 =	simm.s32 $0x1;
	s31 =	sand.u32 $0x1, s10;
	p0 =	por !p0, !p1  }
0x11: {  	s15 =	smax.u32 s2, $0x1;
	s29 =	ssub.s32 s10, s12;
	p0 =	por !p0, !p0  }
0x12: {  	s12 =	simm.s32 $0x15100;
	s6 =	sand.u32 $0xFFFF, s29;
	s14 =	simm.s32 @!p0 $0x0  }
0x13: {  	p0 =	seq.s32 s31, $0x1;
	s13 =	smul.u32 $0xE00, s6;
	s22 =	ssub.s32 s30, s14  }
0x14: {  	s12 =	simm.s32 @!p0 $0xE100;
	s14 =	sadd.s32 $0x3F, s10;
	p0 =	seq.s32 s22, $0x0  }
0x15: {  	p1 =	seq.s32 s22, $0x2;
	p2 =	sne.s32 s22, $0x1;
	s22 =	simm.s32 $0x0  }
.LBB2_1:
.Ltmp0:
0x16: {  	(pc) =	sbr.rel @p0 .LBB2_5-.Ltmp0, $2  }
0x17: {  	_ =	sdelay $0x2  }
0x18: {  	s2 =	smov.u32 s0  }
.Ltmp1:
0x19: {  	(pc) =	sbr.rel @p1 .LBB2_4-.Ltmp1, $1  }
0x1a: {  	_ =	sdelay $0x3  }
.Ltmp2:
0x1b: {  	(pc) =	sbr.rel @p2 .LBB2_6-.Ltmp2, $4  }
.Ltmp3:
0x1c: {  	(pc) =	sbr.rel @!p2 .LBB2_5-.Ltmp3, $4  }
0x1d: {  	_ = 	snop  }
0x1e: {  	_ = 	snop  }
0x1f: {  	s2 =	smov.u32 s1  }
0x20: {  	_ = 	snop  }
.LBB2_4:
0x21: {  	s2 =	smov.u32 s3  }
.LBB2_5:
0x22: {  	s2 =	sadd.s32 s2, s13  }
0x23: {  	[tilespmem:s12], [sflag:$0x1] =	stream.linear.gather [hbm4b:s2+s9], $0x7000, $0x38;
	[tilespmem:$0x1F980] =	vst v63  }
.LBB2_6:
0x24: {  	s25 =	smov.u32 s10  }
.LBB2_7:
0x25: {  	s2 =	sshrl.u32 s25, $0x4  }
0x26: {  	s2 =	smulhi.u32 $0x18618619, s2;
	_ =	sdelay $0x1  }
0x27: {  	s2 =	sshrl.u32 s2, $0x1  }
0x28: {  	s6 =	smul.u32 $0x150, s2;
	_ =	sdelay $0x1  }
0x29: {  	p3 =	seq.s32 s25, s10;
	s6 =	ssub.s32 s25, s6  }
0x2a: {  	p4 =	sne.s32 @!p3 s6, $0x0  }
0x2b: {  	p3 =	por p3, !p4  }
.Ltmp4:
0x2c: {  	_ = 	snop;
	(pc) =	sbr.rel @!p3 .LBB2_11-.Ltmp4, $1  }
0x2d: {  	_ =	sdelay $0x3  }
0x2e: {  	s2 =	smul.u32 $0x7080, s2;
	_ =	sdelay $0x1  }
0x2f: {  	s2 =	sshrl.u32 s2, $0x3  }
0x30: {  	s23 =	simm.s32 $0x0;
	s6 =	sadd.s32 s7, s2  }
0x31: {  	[tilespmem:s16], [sflag:$0x4] =	stream.linear.gather [hbm4b:s6+s23], $0x7080, $0x38;
	[tilespmem:$0x1F980] =	vst v63  }
0x32: {  	_ =	swait.ge [sflag:s17], $0x7080  }
0x33: {  	[sflag:s17] =	ssyncset.done $0x0  }
0x34: {  	s31 =	sadd.s32 s5, s2;
	[sflag:s17] =	ssyncadd.s32 $0xFFFF8F80  }
0x35: {  	[tilespmem:s23], [sflag:$0x4] =	stream.linear.gather [hbm4b:s31+s23], $0x7080, $0x38;
	[tilespmem:$0x1F980] =	vst v63  }
0x36: {  	_ =	swait.ge [sflag:s17], $0x7080  }
0x37: {  	[sflag:s17] =	ssyncset.done $0x0  }
0x38: {  	s6 =	simm.s32 $0x0;
	[sflag:s17] =	ssyncadd.s32 $0xFFFF8F80  }
0x39: {  	v0 =	vld [tilespmem:s6+$0x0];
	_ =	sdelay $0x1  }
0x3a: {  	v1 =	vld [tilespmem:s6+$0x7080];
	_ =	sdelay $0x2  }
0x3b: {  	v0 =	vcvt.s32.f32 v0;
	_ =	sdelay $0x1  }
0x3c: {  	s24 =	simm.s32 $0x10;
	s23 =	simm.s32 $0x80;
	v0 =	vmul.f32 v0, v1  }
.LBB2_9:
0x3d: {  	p3 =	sne.s32 s23, $0x1C1C0;
	v1 =	vld [tilespmem:s24+$0x0]  }
0x3e: {  	[tilespmem:s6+$0x7080] =	vst v0;
	s6 =	smov.u32 s24  }
0x3f: {  	v0 =	vld [tilespmem:s6+$0x7080]  }
.Ltmp5:
0x40: {  	(pc) =	sbr.rel @p3 .LBB2_9-.Ltmp5, $3  }
0x41: {  	_ = 	snop  }
0x42: {  	v1 =	vcvt.s32.f32 v1;
	_ =	sdelay $0x1  }
0x43: {  	s24 =	sshra.s32 s23, $0x2;
	s23 =	sadd.s32 $0x40, s23;
	v0 =	vmul.f32 v1, v0  }
0x44: {  	v1 =	vld [tilespmem:s24+$0x0]  }
0x45: {  	[tilespmem:s6+$0x7080] =	vst v0  }
0x46: {  	v0 =	vld [tilespmem:s24+$0x7080];
	_ =	sdelay $0x2  }
0x47: {  	v1 =	vcvt.s32.f32 v1;
	_ =	sdelay $0x1  }
0x48: {  	v0 =	vmul.f32 v1, v0;
	_ =	sdelay $0x1  }
0x49: {  	s2 =	sadd.s32 s4, s2;
	[tilespmem:s24+$0x7080] =	vst v0  }
0x4a: {  	[tilespmem:s9], [sflag:$0x4] =	stream.linear.gather [hbm4b:s2+s9], $0x7080, $0x38;
	[tilespmem:$0x1F980] =	vst v63  }
0x4b: {  	_ =	swait.ge [sflag:s17], $0x7080  }
0x4c: {  	[sflag:s17] =	ssyncset.done $0x0  }
0x4d: {  	[sflag:s17] =	ssyncadd.s32 $0xFFFF8F80  }
.LBB2_11:
0x4e: {  	s23 =	sadd.s32 $0x1, s25  }
0x4f: {  	p3 =	sge.u32 s23, s14  }
.Ltmp6:
0x50: {  	_ = 	snop;
	(pc) =	sbr.rel @p3 .LBB2_17-.Ltmp6, $4  }
0x51: {  	_ = 	snop  }
0x52: {  	_ =	swait.ge [sflag:s11], $0x7000  }
0x53: {  	[sflag:s11] =	ssyncset.done $0x0  }
0x54: {  	[sflag:s11] =	ssyncadd.s32 $0xFFFF9000  }
0x55: {  	s2 =	sshrl.u32 s23, $0x4  }
0x56: {  	s2 =	smulhi.u32 $0x18618619, s2;
	_ =	sdelay $0x1  }
0x57: {  	s2 =	sshrl.u32 s2, $0x1  }
0x58: {  	s6 =	sand.u32 $0x1, s2  }
0x59: {  	p3 =	slt.u32 s25, $0x14F;
	p4 =	seq.s32 s6, $0x1  }
0x5a: {  	s31 =	sshrl.u32 s23, $0x5;
	p3 =	por !p3, !p4  }
0x5b: {  	s24 =	simm.s32 $0x1;
	s6 =	smulhi.u32 $0xC30C30D, s31;
	p3 =	por !p3, !p3  }
0x5c: {  	s24 =	simm.s32 @!p3 $0x0  }
0x5d: {  	s24 =	ssub.s32 s6, s24  }
0x5e: {  	p3 =	seq.s32 s24, $0x0  }
.Ltmp7:
0x5f: {  	_ = 	snop;
	(pc) =	sbr.rel @p3 .LBB2_16-.Ltmp7, $2  }
0x60: {  	_ =	sdelay $0x2  }
0x61: {  	s6 =	smov.u32 s0  }
0x62: {  	p3 =	seq.s32 s24, $0x2  }
.Ltmp8:
0x63: {  	_ = 	snop;
	(pc) =	sbr.rel @p3 .LBB2_15-.Ltmp8, $1  }
0x64: {  	_ =	sdelay $0x3  }
0x65: {  	p3 =	sne.s32 s24, $0x1  }
.Ltmp9:
0x66: {  	_ = 	snop;
	(pc) =	sbr.rel @p3 .LBB2_17-.Ltmp9, $4  }
.Ltmp10:
0x67: {  	_ = 	snop;
	(pc) =	sbr.rel @!p3 .LBB2_16-.Ltmp10, $4  }
0x68: {  	_ = 	snop  }
0x69: {  	_ = 	snop  }
0x6a: {  	s6 =	smov.u32 s1  }
0x6b: {  	_ = 	snop  }
.LBB2_15:
0x6c: {  	s6 =	smov.u32 s3  }
.LBB2_16:
0x6d: {  	s2 =	smul.u32 $0x150, s2;
	_ =	sdelay $0x1  }
0x6e: {  	s24 =	sand.u32 $0x1, s23;
	s2 =	ssub.s32 s23, s2  }
0x6f: {  	p3 =	seq.s32 s24, $0x1;
	s24 =	simm.s32 $0x7000;
	s2 =	smul.u32 $0xE00, s2  }
0x70: {  	s24 =	simm.s32 @!p3 $0x0  }
0x71: {  	s24 =	sadd.s32 $0xE100, s24;
	s2 =	sadd.s32 s6, s2  }
0x72: {  	[tilespmem:s24], [sflag:$0x1] =	stream.linear.gather [hbm4b:s2+s9], $0x7000, $0x38;
	[tilespmem:$0x1F980] =	vst v63  }
.LBB2_17:
0x73: {  	p3 =	sle.u32 s25, s10  }
0x74: {  	s2 =	simm.s32 @!p3 $0x2  }
0x75: {  	_ =	swait.ge @!p3 [sflag:s2], $0x1C20  }
0x76: {  	[sflag:s2] =	ssyncset.done @!p3 $0x0  }
0x77: {  	s31 =	simm.s32 $0x50;
	s6 =	simm.s32 $0x0;
	[sflag:s2] =	ssyncadd.s32 @!p3 $0xFFFFE3E0  }
0x78: {  	s6 =	sand.u32 $0x1FE0, s6;
	v0 =	vld [tilespmem:s31+$0x40]  }
0x79: {  	v1 =	vld [tilespmem:s6+$0x80]  }
0x7a: {  	v2 =	vld [tilespmem:s31+$0xFFFFFFC0]  }
0x7b: {  	v3 =	vld [tilespmem:s31+$0xFFFFFFD0]  }
0x7c: {  	v4 =	vld [tilespmem:s31+$0xFFFFFFE0]  }
0x7d: {  	v5 =	vld [tilespmem:s31+$0xFFFFFFF0]  }
0x7e: {  	s26 =	simm.s32 $0x70D0;
	v6 =	vld [tilespmem:s31+$0x0]  }
0x7f: {  	v7 =	vld [tilespmem:s26+$0x40]  }
0x80: {  	v11 =	vld [tilespmem:s6+$0x7100]  }
0x81: {  	v9 =	vld [tilespmem:s31+$0x20]  }
0x82: {  	v12 =	vld [tilespmem:s31+$0xFFFFFFB0]  }
0x83: {  	s24 =	sand.u32 $0x1, s25;
	v63 =	vld [tilespmem:s26+$0xFFFFFFB0]  }
0x84: {  	p4 =	seq.s32 s24, $0x1;
	s24 =	simm.s32 $0x15100;
	v15 =	vld [tilespmem:s26+$0xFFFFFFC0]  }
0x85: {  	s24 =	simm.s32 @!p4 $0xE100;
	v16 =	vld [tilespmem:s26+$0xFFFFFFD0]  }
0x86: {  	v8 =	vld.idx.msk [tilespmem:v0+s24+$0x0], $0xffff  }
0x87: {  	v0 =	vld [tilespmem:s31+$0x10]  }
0x88: {  	v10 =	vld.idx.msk [tilespmem:v1+s24+$0x0], $0xffff  }
0x89: {  	v13 =	vld.idx.msk [tilespmem:v2+s24+$0x0], $0xffff  }
0x8a: {  	v14 =	vld.idx.msk [tilespmem:v3+s24+$0x0], $0xffff  }
0x8b: {  	v4 =	vld.idx.msk [tilespmem:v4+s24+$0x0], $0xffff  }
0x8c: {  	v3 =	vld.idx.msk [tilespmem:v5+s24+$0x0], $0xffff  }
0x8d: {  	v2 =	vld.idx.msk [tilespmem:v6+s24+$0x0], $0xffff  }
0x8e: {  	v5 =	vld.idx.msk [tilespmem:v12+s24+$0x0], $0xffff  }
0x8f: {  	v1 =	vld.idx.msk [tilespmem:v0+s24+$0x0], $0xffff  }
0x90: {  	v0 =	vld.idx.msk [tilespmem:v9+s24+$0x0], $0xffff  }
0x91: {  	v7 =	vmul.f32 v7, v8;
	v9 =	vld [tilespmem:s26+$0xFFFFFFE0]  }
0x92: {  	s28 =	simm.s32 $0x1C150;
	v6 =	vld [tilespmem:s26+$0xFFFFFFF0];
	v8 =	vmul.f32 v11, v10  }
0x93: {  	v11 =	vmul.f32 v63, v5;
	[tilespmem:s28+$0x40] =	vst v7;
	v7 =	vld [tilespmem:s26+$0x0]  }
0x94: {  	v5 =	vld [tilespmem:s26+$0x10];
	v10 =	vmul.f32 v15, v13;
	[tilespmem:s6+$0x1C180] =	vst v8  }
0x95: {  	s29 =	simm.s32 $0x0;
	s30 =	simm.s32 $0xF0;
	[tilespmem:s28+$0xFFFFFFB0] =	vst v11;
	v11 =	vmul.f32 v16, v14;
	v8 =	vld [tilespmem:s26+$0x20];
	s6 =	simm.s32 $0xA0  }
.LBB2_18:
0x96: {  	s2 =	sand.u32 $0x1FE0, s6;
	v12 =	vld [tilespmem:s30+$0x40];
	s29 =	sadd.s32 $0xA, s29;
	[tilespmem:s28+$0xFFFFFFC0] =	vst v10;
	v4 =	vmul.f32 v9, v4  }
0x97: {  	v9 =	vld [tilespmem:s2+$0x80];
	p4 =	slt.u32 s29, $0x1B8;
	[tilespmem:s28+$0xFFFFFFD0] =	vst v11;
	v3 =	vmul.f32 v6, v3  }
0x98: {  	v6 =	vld [tilespmem:s30+$0xFFFFFFC0];
	[tilespmem:s28+$0xFFFFFFE0] =	vst v4;
	v2 =	vmul.f32 v7, v2  }
0x99: {  	v4 =	vld [tilespmem:s30+$0xFFFFFFD0];
	[tilespmem:s28+$0xFFFFFFF0] =	vst v3;
	v1 =	vmul.f32 v5, v1  }
0x9a: {  	v3 =	vld [tilespmem:s30+$0xFFFFFFE0];
	[tilespmem:s28+$0x0] =	vst v2;
	v0 =	vmul.f32 v8, v0  }
0x9b: {  	v2 =	vld [tilespmem:s30+$0xFFFFFFF0];
	[tilespmem:s28+$0x10] =	vst v1  }
0x9c: {  	s26 =	sadd.s32 $0xA0, s26;
	v1 =	vld [tilespmem:s30+$0x0];
	[tilespmem:s28+$0x20] =	vst v0  }
0x9d: {  	v0 =	vld [tilespmem:s26+$0x40]  }
0x9e: {  	v5 =	vld.idx.msk [tilespmem:v12+s24+$0x0], $0xffff  }
0x9f: {  	v7 =	vld.idx.msk [tilespmem:v9+s24+$0x0], $0xffff  }
0xa0: {  	v8 =	vld [tilespmem:s2+$0x7100]  }
0xa1: {  	v9 =	vld [tilespmem:s30+$0x10]  }
0xa2: {  	v10 =	vld [tilespmem:s30+$0x20]  }
0xa3: {  	v11 =	vld [tilespmem:s30+$0xFFFFFFB0]  }
0xa4: {  	v0 =	vmul.f32 v0, v5;
	v12 =	vld.idx.msk [tilespmem:v6+s24+$0x0], $0xffff  }
0xa5: {  	s28 =	sadd.s32 $0xA0, s28;
	v13 =	vld.idx.msk [tilespmem:v4+s24+$0x0], $0xffff;
	v5 =	vmul.f32 v8, v7  }
0xa6: {  	v4 =	vld.idx.msk [tilespmem:v3+s24+$0x0], $0xffff;
	[tilespmem:s28+$0x40] =	vst v0  }
0xa7: {  	v3 =	vld.idx.msk [tilespmem:v2+s24+$0x0], $0xffff;
	[tilespmem:s2+$0x1C180] =	vst v5  }
0xa8: {  	v2 =	vld.idx.msk [tilespmem:v1+s24+$0x0], $0xffff  }
0xa9: {  	v1 =	vld.idx.msk [tilespmem:v9+s24+$0x0], $0xffff  }
0xaa: {  	v0 =	vld.idx.msk [tilespmem:v10+s24+$0x0], $0xffff  }
0xab: {  	v5 =	vld.idx.msk [tilespmem:v11+s24+$0x0], $0xffff  }
0xac: {  	v7 =	vld [tilespmem:s26+$0xFFFFFFB0]  }
0xad: {  	v8 =	vld [tilespmem:s26+$0xFFFFFFC0]  }
0xae: {  	v11 =	vld [tilespmem:s26+$0xFFFFFFD0]  }
.Ltmp11:
0xaf: {  	v9 =	vld [tilespmem:s26+$0xFFFFFFE0];
	(pc) =	sbr.rel @p4 .LBB2_18-.Ltmp11, $4  }
0xb0: {  	v6 =	vld [tilespmem:s26+$0xFFFFFFF0]  }
0xb1: {  	v14 =	vmul.f32 v7, v5;
	v7 =	vld [tilespmem:s26+$0x0]  }
0xb2: {  	v10 =	vmul.f32 v8, v12;
	v5 =	vld [tilespmem:s26+$0x10]  }
0xb3: {  	s6 =	sadd.s32 $0xA0, s6;
	s30 =	sadd.s32 $0xA0, s30;
	[tilespmem:s28+$0xFFFFFFB0] =	vst v14;
	v11 =	vmul.f32 v11, v13;
	v8 =	vld [tilespmem:s26+$0x20]  }
0xb4: {  	[tilespmem:s28+$0xFFFFFFC0] =	vst v10;
	v4 =	vmul.f32 v9, v4  }
0xb5: {  	[tilespmem:s28+$0xFFFFFFD0] =	vst v11;
	v3 =	vmul.f32 v6, v3  }
0xb6: {  	[tilespmem:s28+$0xFFFFFFE0] =	vst v4;
	v2 =	vmul.f32 v7, v2  }
0xb7: {  	s2 =	smul.u32 $0x7080, s25;
	[tilespmem:s28+$0xFFFFFFF0] =	vst v3;
	v1 =	vmul.f32 v5, v1  }
0xb8: {  	[tilespmem:s28+$0x0] =	vst v2;
	v0 =	vmul.f32 v8, v0  }
0xb9: {  	s2 =	sshrl.u32 s2, $0x3;
	[tilespmem:s28+$0x10] =	vst v1  }
0xba: {  	s25 =	sadd.s32 s8, s2;
	s2 =	simm.s32 @!p3 $0x3;
	[tilespmem:s28+$0x20] =	vst v0  }
0xbb: {  	[hbm4b:s25+s9] =	stream.linear.scatter [tilespmem:s18], [sflag:$0x2], $0x1C20, $0x38;
	[tilespmem:$0x1F980] =	vst v63  }
0xbc: {  	_ =	swait.ge @!p3 [sflag:s2], $0x1C20  }
0xbd: {  	[sflag:s2] =	ssyncset.done @!p3 $0x0  }
0xbe: {  	s31 =	simm.s32 $0x1CB0;
	s6 =	simm.s32 $0x0;
	[sflag:s2] =	ssyncadd.s32 @!p3 $0xFFFFE3E0  }
0xbf: {  	s6 =	sand.u32 $0x1FE0, s6;
	v0 =	vld [tilespmem:s31+$0x0]  }
0xc0: {  	v1 =	vld [tilespmem:s6+$0x1C80]  }
0xc1: {  	v2 =	vld [tilespmem:s31+$0xFFFFFF80]  }
0xc2: {  	v3 =	vld [tilespmem:s31+$0xFFFFFF90]  }
0xc3: {  	v4 =	vld [tilespmem:s31+$0xFFFFFFA0]  }
0xc4: {  	v5 =	vld [tilespmem:s31+$0xFFFFFFB0]  }
0xc5: {  	s26 =	simm.s32 $0x8D30;
	v6 =	vld [tilespmem:s31+$0xFFFFFFC0]  }
0xc6: {  	v7 =	vld [tilespmem:s26+$0x0]  }
0xc7: {  	v10 =	vld [tilespmem:s6+$0x8D00]  }
0xc8: {  	v11 =	vld [tilespmem:s31+$0xFFFFFFF0]  }
0xc9: {  	v12 =	vld [tilespmem:s31+$0xFFFFFF70]  }
0xca: {  	v8 =	vld.idx.msk [tilespmem:v0+s24+$0x0], $0xffff  }
0xcb: {  	v0 =	vld [tilespmem:s31+$0xFFFFFFE0]  }
0xcc: {  	v63 =	vld [tilespmem:s26+$0xFFFFFF80]  }
0xcd: {  	v15 =	vld [tilespmem:s26+$0xFFFFFF90]  }
0xce: {  	v9 =	vld.idx.msk [tilespmem:v1+s24+$0x0], $0xffff  }
0xcf: {  	v13 =	vld.idx.msk [tilespmem:v2+s24+$0x0], $0xffff  }
0xd0: {  	v14 =	vld.idx.msk [tilespmem:v3+s24+$0x0], $0xffff  }
0xd1: {  	v3 =	vld.idx.msk [tilespmem:v5+s24+$0x0], $0xffff  }
0xd2: {  	v5 =	vld.idx.msk [tilespmem:v12+s24+$0x0], $0xffff  }
0xd3: {  	v1 =	vld.idx.msk [tilespmem:v0+s24+$0x0], $0xffff  }
0xd4: {  	v0 =	vld.idx.msk [tilespmem:v11+s24+$0x0], $0xffff  }
0xd5: {  	v11 =	vld [tilespmem:s26+$0xFFFFFF70]  }
0xd6: {  	v4 =	vld.idx.msk [tilespmem:v4+s24+$0x0], $0xffff  }
0xd7: {  	v2 =	vld.idx.msk [tilespmem:v6+s24+$0x0], $0xffff  }
0xd8: {  	v7 =	vmul.f32 v7, v8;
	v8 =	vld [tilespmem:s26+$0xFFFFFFA0]  }
0xd9: {  	s28 =	simm.s32 $0x1DDB0;
	v6 =	vld [tilespmem:s26+$0xFFFFFFB0];
	v9 =	vmul.f32 v10, v9  }
0xda: {  	[tilespmem:s28+$0x0] =	vst v7;
	v7 =	vld [tilespmem:s26+$0xFFFFFFC0];
	v11 =	vmul.f32 v11, v5  }
0xdb: {  	v10 =	vmul.f32 v63, v13;
	[tilespmem:s6+$0x1DD80] =	vst v9;
	v5 =	vld [tilespmem:s26+$0xFFFFFFE0]  }
0xdc: {  	s29 =	simm.s32 $0x0;
	s30 =	simm.s32 $0x1D50;
	v9 =	vld [tilespmem:s26+$0xFFFFFFF0];
	s6 =	simm.s32 $0xA0;
	[tilespmem:s28+$0xFFFFFF70] =	vst v11;
	v11 =	vmul.f32 v15, v14  }
.LBB2_20:
0xdd: {  	s2 =	sand.u32 $0x1FE0, s6;
	v12 =	vld [tilespmem:s30+$0x0];
	s29 =	sadd.s32 $0xA, s29;
	[tilespmem:s28+$0xFFFFFF80] =	vst v10;
	v4 =	vmul.f32 v8, v4  }
0xde: {  	v8 =	vld [tilespmem:s2+$0x1C80];
	p3 =	slt.u32 s29, $0x1B8;
	[tilespmem:s28+$0xFFFFFF90] =	vst v11;
	v3 =	vmul.f32 v6, v3  }
0xdf: {  	v6 =	vld [tilespmem:s30+$0xFFFFFF80];
	[tilespmem:s28+$0xFFFFFFA0] =	vst v4;
	v2 =	vmul.f32 v7, v2  }
0xe0: {  	v4 =	vld [tilespmem:s30+$0xFFFFFF90];
	[tilespmem:s28+$0xFFFFFFB0] =	vst v3;
	v1 =	vmul.f32 v5, v1  }
0xe1: {  	v3 =	vld [tilespmem:s30+$0xFFFFFFA0];
	[tilespmem:s28+$0xFFFFFFC0] =	vst v2;
	v0 =	vmul.f32 v9, v0  }
0xe2: {  	v2 =	vld [tilespmem:s30+$0xFFFFFFB0];
	[tilespmem:s28+$0xFFFFFFE0] =	vst v1  }
0xe3: {  	s26 =	sadd.s32 $0xA0, s26;
	v1 =	vld [tilespmem:s30+$0xFFFFFFC0];
	[tilespmem:s28+$0xFFFFFFF0] =	vst v0  }
0xe4: {  	v0 =	vld [tilespmem:s26+$0x0]  }
0xe5: {  	v5 =	vld.idx.msk [tilespmem:v12+s24+$0x0], $0xffff  }
0xe6: {  	v7 =	vld.idx.msk [tilespmem:v8+s24+$0x0], $0xffff  }
0xe7: {  	v8 =	vld [tilespmem:s2+$0x8D00]  }
0xe8: {  	v9 =	vld [tilespmem:s30+$0xFFFFFFE0]  }
0xe9: {  	v10 =	vld [tilespmem:s30+$0xFFFFFFF0]  }
0xea: {  	v11 =	vld [tilespmem:s30+$0xFFFFFF70]  }
0xeb: {  	v0 =	vmul.f32 v0, v5;
	v12 =	vld.idx.msk [tilespmem:v6+s24+$0x0], $0xffff  }
0xec: {  	s28 =	sadd.s32 $0xA0, s28;
	v13 =	vld.idx.msk [tilespmem:v4+s24+$0x0], $0xffff;
	v5 =	vmul.f32 v8, v7  }
0xed: {  	v4 =	vld.idx.msk [tilespmem:v3+s24+$0x0], $0xffff;
	[tilespmem:s28+$0x0] =	vst v0  }
0xee: {  	v3 =	vld.idx.msk [tilespmem:v2+s24+$0x0], $0xffff;
	[tilespmem:s2+$0x1DD80] =	vst v5  }
0xef: {  	v2 =	vld.idx.msk [tilespmem:v1+s24+$0x0], $0xffff  }
0xf0: {  	v1 =	vld.idx.msk [tilespmem:v9+s24+$0x0], $0xffff  }
0xf1: {  	v0 =	vld.idx.msk [tilespmem:v10+s24+$0x0], $0xffff  }
0xf2: {  	v5 =	vld.idx.msk [tilespmem:v11+s24+$0x0], $0xffff  }
0xf3: {  	v7 =	vld [tilespmem:s26+$0xFFFFFF70]  }
0xf4: {  	v9 =	vld [tilespmem:s26+$0xFFFFFF80]  }
0xf5: {  	v11 =	vld [tilespmem:s26+$0xFFFFFF90]  }
.Ltmp12:
0xf6: {  	v8 =	vld [tilespmem:s26+$0xFFFFFFA0];
	(pc) =	sbr.rel @p3 .LBB2_20-.Ltmp12, $4  }
0xf7: {  	v6 =	vld [tilespmem:s26+$0xFFFFFFB0]  }
0xf8: {  	v14 =	vmul.f32 v7, v5;
	v7 =	vld [tilespmem:s26+$0xFFFFFFC0]  }
0xf9: {  	v10 =	vmul.f32 v9, v12;
	v5 =	vld [tilespmem:s26+$0xFFFFFFE0]  }
0xfa: {  	s6 =	sadd.s32 $0xA0, s6;
	s30 =	sadd.s32 $0xA0, s30;
	[tilespmem:s28+$0xFFFFFF70] =	vst v14;
	v11 =	vmul.f32 v11, v13;
	v9 =	vld [tilespmem:s26+$0xFFFFFFF0]  }
0xfb: {  	[tilespmem:s28+$0xFFFFFF80] =	vst v10;
	v4 =	vmul.f32 v8, v4  }
0xfc: {  	[tilespmem:s28+$0xFFFFFF90] =	vst v11;
	v3 =	vmul.f32 v6, v3  }
0xfd: {  	[tilespmem:s28+$0xFFFFFFA0] =	vst v4;
	v2 =	vmul.f32 v7, v2  }
0xfe: {  	[tilespmem:s28+$0xFFFFFFB0] =	vst v3;
	v1 =	vmul.f32 v5, v1  }
0xff: {  	[tilespmem:s28+$0xFFFFFFC0] =	vst v2;
	v0 =	vmul.f32 v9, v0  }
0x100: {  	[tilespmem:s28+$0xFFFFFFE0] =	vst v1  }
0x101: {  	s2 =	sadd.s32 $0x384, s25;
	s6 =	simm.s32 $0x0;
	[tilespmem:s28+$0xFFFFFFF0] =	vst v0  }
0x102: {  	[hbm4b:s2+s6] =	stream.linear.scatter [tilespmem:s19], [sflag:$0x3], $0x1C20, $0x38;
	[tilespmem:$0x1F980] =	vst v63  }
0x103: {  	_ =	swait.ge [sflag:s20], $0x1C20  }
0x104: {  	[sflag:s20] =	ssyncset.done $0x0  }
0x105: {  	s2 =	simm.s32 $0x38D0;
	[sflag:s20] =	ssyncadd.s32 $0xFFFFE3E0  }
0x106: {  	s26 =	simm.s32 $0xA950;
	v0 =	vld [tilespmem:s2+$0xFFFFFFF0]  }
0x107: {  	v4 =	vld [tilespmem:s26+$0xFFFFFF70]  }
0x108: {  	v6 =	vld [tilespmem:s26+$0xFFFFFF80]  }
0x109: {  	v7 =	vld [tilespmem:s26+$0xFFFFFF90]  }
0x10a: {  	v8 =	vld [tilespmem:s26+$0xFFFFFFA0]  }
0x10b: {  	v9 =	vld [tilespmem:s26+$0xFFFFFFF0]  }
0x10c: {  	v10 =	vld [tilespmem:s26+$0xFFFFFFC0]  }
0x10d: {  	v11 =	vld [tilespmem:s26+$0xFFFFFFD0]  }
0x10e: {  	v12 =	vld [tilespmem:s26+$0xFFFFFFE0]  }
0x10f: {  	v1 =	vld [tilespmem:s2+$0xFFFFFF80]  }
0x110: {  	s6 =	sand.u32 $0x1FE0, s6;
	v2 =	vld [tilespmem:s2+$0xFFFFFF90]  }
0x111: {  	v3 =	vld [tilespmem:s6+$0x3880]  }
0x112: {  	v13 =	vld [tilespmem:s2+$0xFFFFFFA0]  }
0x113: {  	v14 =	vld [tilespmem:s2+$0xFFFFFFC0]  }
0x114: {  	v15 =	vld [tilespmem:s2+$0xFFFFFFD0]  }
0x115: {  	s28 =	simm.s32 $0x3970;
	v16 =	vld [tilespmem:s2+$0xFFFFFFE0]  }
0x116: {  	v17 =	vld [tilespmem:s28+$0xFFFFFFF0]  }
0x117: {  	v18 =	vld [tilespmem:s2+$0x0]  }
0x118: {  	v21 =	vld [tilespmem:s6+$0xA900]  }
0x119: {  	v24 =	vld [tilespmem:s26+$0x0];
	s26 =	simm.s32 $0xA9F0  }
0x11a: {  	v62 =	vld [tilespmem:s26+$0xFFFFFFF0]  }
0x11b: {  	v5 =	vld.idx.msk [tilespmem:v0+s24+$0x0], $0xffff  }
0x11c: {  	v0 =	vld [tilespmem:s2+$0xFFFFFF70]  }
0x11d: {  	v20 =	vld.idx.msk [tilespmem:v3+s24+$0x0], $0xffff  }
0x11e: {  	v22 =	vld.idx.msk [tilespmem:v1+s24+$0x0], $0xffff  }
0x11f: {  	v23 =	vld.idx.msk [tilespmem:v2+s24+$0x0], $0xffff  }
0x120: {  	v13 =	vld.idx.msk [tilespmem:v13+s24+$0x0], $0xffff  }
0x121: {  	v14 =	vld.idx.msk [tilespmem:v14+s24+$0x0], $0xffff  }
0x122: {  	v15 =	vld.idx.msk [tilespmem:v15+s24+$0x0], $0xffff  }
0x123: {  	v16 =	vld.idx.msk [tilespmem:v16+s24+$0x0], $0xffff  }
0x124: {  	v18 =	vld.idx.msk [tilespmem:v18+s24+$0x0], $0xffff  }
0x125: {  	v3 =	vld [tilespmem:s26+$0xFFFFFF70]  }
0x126: {  	v2 =	vld [tilespmem:s26+$0xFFFFFF80]  }
0x127: {  	v1 =	vld [tilespmem:s26+$0xFFFFFF90]  }
0x128: {  	s30 =	simm.s32 $0xA0;
	v17 =	vld.idx.msk [tilespmem:v17+s24+$0x0], $0xffff  }
0x129: {  	s2 =	sand.u32 $0x1FE0, s30;
	v5 =	vmul.f32 v9, v5;
	v63 =	vmul.f32 v6, v22;
	v6 =	vld [tilespmem:s26+$0xFFFFFFD0]  }
0x12a: {  	v9 =	vmul.f32 v21, v20;
	v10 =	vmul.f32 v10, v14;
	v14 =	vld [tilespmem:s2+$0x3880]  }
0x12b: {  	s29 =	simm.s32 $0x1C150;
	v7 =	vmul.f32 v7, v23;
	[tilespmem:s6+$0x1C180] =	vst v5;
	v5 =	vld [tilespmem:s26+$0xFFFFFFC0]  }
0x12c: {  	[tilespmem:s29+$0xFFFFFFF0] =	vst v9;
	v9 =	vmul.f32 v8, v13;
	v8 =	vld [tilespmem:s28+$0xFFFFFF70]  }
0x12d: {  	[tilespmem:s29+$0xFFFFFFD0] =	vst v7;
	v7 =	vld [tilespmem:s28+$0xFFFFFF80]  }
0x12e: {  	v11 =	vmul.f32 v11, v15;
	[tilespmem:s29+$0xFFFFFFC0] =	vst v63;
	v19 =	vld.idx.msk [tilespmem:v0+s24+$0x0], $0xffff  }
0x12f: {  	v12 =	vmul.f32 v12, v16;
	[tilespmem:s29+$0x0] =	vst v10;
	v10 =	vld [tilespmem:s28+$0xFFFFFFA0]  }
0x130: {  	[tilespmem:s29+$0x10] =	vst v11;
	v13 =	vld [tilespmem:s28+$0xFFFFFFC0]  }
0x131: {  	v11 =	vmul.f32 v24, v18;
	[tilespmem:s29+$0x20] =	vst v12;
	v0 =	vld [tilespmem:s26+$0xFFFFFFA0]  }
0x132: {  	v12 =	vmul.f32 v62, v17;
	[tilespmem:s29+$0xFFFFFFE0] =	vst v9;
	v9 =	vld [tilespmem:s28+$0xFFFFFF90]  }
0x133: {  	[tilespmem:s29+$0x40] =	vst v11;
	v11 =	vld [tilespmem:s28+$0xFFFFFFD0];
	v4 =	vmul.f32 v4, v19  }
0x134: {  	[tilespmem:s2+$0x1C180] =	vst v12;
	v12 =	vld [tilespmem:s28+$0xFFFFFFE0]  }
0x135: {  	s31 =	simm.s32 $0xA;
	s6 =	simm.s32 $0x3A10;
	[tilespmem:s29+$0xFFFFFFB0] =	vst v4;
	v4 =	vld [tilespmem:s26+$0xFFFFFFE0]  }
.LBB2_22:
0x136: {  	v15 =	vld [tilespmem:s6+$0xFFFFFFF0]  }
0x137: {  	v16 =	vld [tilespmem:s28+$0x0];
	s28 =	smov.u32 s6  }
0x138: {  	v8 =	vld.idx.msk [tilespmem:v8+s24+$0x0], $0xffff  }
0x139: {  	v14 =	vld.idx.msk [tilespmem:v14+s24+$0x0], $0xffff  }
0x13a: {  	v17 =	vld [tilespmem:s2+$0xA900]  }
0x13b: {  	v7 =	vld.idx.msk [tilespmem:v7+s24+$0x0], $0xffff  }
0x13c: {  	v9 =	vld.idx.msk [tilespmem:v9+s24+$0x0], $0xffff  }
0x13d: {  	v10 =	vld.idx.msk [tilespmem:v10+s24+$0x0], $0xffff  }
0x13e: {  	v13 =	vld.idx.msk [tilespmem:v13+s24+$0x0], $0xffff  }
0x13f: {  	v14 =	vmul.f32 v17, v14;
	v11 =	vld.idx.msk [tilespmem:v11+s24+$0x0], $0xffff  }
0x140: {  	s29 =	sadd.s32 $0xA0, s29;
	v3 =	vmul.f32 v3, v8;
	v8 =	vld.idx.msk [tilespmem:v12+s24+$0x0], $0xffff  }
0x141: {  	v2 =	vmul.f32 v2, v7;
	[tilespmem:s29+$0xFFFFFFF0] =	vst v14;
	v7 =	vld.idx.msk [tilespmem:v16+s24+$0x0], $0xffff  }
0x142: {  	v1 =	vmul.f32 v1, v9;
	[tilespmem:s29+$0xFFFFFFB0] =	vst v3;
	v9 =	vld [tilespmem:s26+$0x0];
	s26 =	sadd.s32 $0xA0, s26  }
0x143: {  	v0 =	vmul.f32 v0, v10;
	v3 =	vld [tilespmem:s26+$0xFFFFFF70];
	[tilespmem:s29+$0xFFFFFFC0] =	vst v2  }
0x144: {  	v5 =	vmul.f32 v5, v13;
	v2 =	vld [tilespmem:s26+$0xFFFFFF80];
	[tilespmem:s29+$0xFFFFFFD0] =	vst v1  }
0x145: {  	v6 =	vmul.f32 v6, v11;
	v1 =	vld [tilespmem:s26+$0xFFFFFF90];
	[tilespmem:s29+$0xFFFFFFE0] =	vst v0  }
0x146: {  	v4 =	vmul.f32 v4, v8;
	v0 =	vld [tilespmem:s26+$0xFFFFFFA0];
	[tilespmem:s29+$0x0] =	vst v5  }
0x147: {  	v10 =	vld.idx.msk [tilespmem:v15+s24+$0x0], $0xffff;
	[tilespmem:s29+$0x10] =	vst v6;
	v6 =	vmul.f32 v9, v7  }
0x148: {  	v9 =	vld [tilespmem:s26+$0xFFFFFFF0];
	[tilespmem:s29+$0x20] =	vst v4  }
0x149: {  	v5 =	vld [tilespmem:s26+$0xFFFFFFC0];
	[tilespmem:s29+$0x40] =	vst v6  }
0x14a: {  	v6 =	vld [tilespmem:s26+$0xFFFFFFD0]  }
0x14b: {  	v4 =	vld [tilespmem:s26+$0xFFFFFFE0]  }
0x14c: {  	v8 =	vld [tilespmem:s6+$0xFFFFFF70]  }
0x14d: {  	s30 =	sadd.s32 $0xA0, s30;
	s31 =	sadd.s32 $0xA, s31;
	v7 =	vld [tilespmem:s6+$0xFFFFFF80];
	v10 =	vmul.f32 v9, v10  }
0x14e: {  	p3 =	slt.u32 s31, $0x1B8;
	s2 =	sand.u32 $0x1FE0, s30;
	v9 =	vld [tilespmem:s6+$0xFFFFFF90]  }
.Ltmp13:
0x14f: {  	v14 =	vld [tilespmem:s2+$0x3880];
	[tilespmem:s2+$0x1C180] =	vst v10;
	(pc) =	sbr.rel @p3 .LBB2_22-.Ltmp13, $4  }
0x150: {  	v10 =	vld [tilespmem:s6+$0xFFFFFFA0]  }
0x151: {  	v13 =	vld [tilespmem:s6+$0xFFFFFFC0]  }
0x152: {  	v11 =	vld [tilespmem:s6+$0xFFFFFFD0]  }
0x153: {  	s6 =	sadd.s32 $0xA0, s6;
	v12 =	vld [tilespmem:s28+$0xFFFFFFE0]  }
0x154: {  	_ =	sdelay $0x2  }
0x155: {  	v15 =	vld [tilespmem:s28+$0x0]  }
0x156: {  	v8 =	vld.idx.msk [tilespmem:v8+s24+$0x0], $0xffff  }
0x157: {  	v14 =	vld.idx.msk [tilespmem:v14+s24+$0x0], $0xffff  }
0x158: {  	v16 =	vld [tilespmem:s2+$0xA900]  }
0x159: {  	v7 =	vld.idx.msk [tilespmem:v7+s24+$0x0], $0xffff  }
0x15a: {  	v9 =	vld.idx.msk [tilespmem:v9+s24+$0x0], $0xffff  }
0x15b: {  	v10 =	vld.idx.msk [tilespmem:v10+s24+$0x0], $0xffff  }
0x15c: {  	v13 =	vld.idx.msk [tilespmem:v13+s24+$0x0], $0xffff  }
0x15d: {  	v11 =	vld.idx.msk [tilespmem:v11+s24+$0x0], $0xffff;
	v3 =	vmul.f32 v3, v8  }
0x15e: {  	s6 =	sadd.s32 $0xA0, s29;
	v14 =	vmul.f32 v16, v14;
	v8 =	vld.idx.msk [tilespmem:v12+s24+$0x0], $0xffff  }
0x15f: {  	v2 =	vmul.f32 v2, v7;
	[tilespmem:s6+$0xFFFFFFB0] =	vst v3;
	v3 =	vld [tilespmem:s26+$0x0]  }
0x160: {  	v1 =	vmul.f32 v1, v9;
	[tilespmem:s6+$0xFFFFFFF0] =	vst v14;
	v7 =	vld.idx.msk [tilespmem:v15+s24+$0x0], $0xffff  }
0x161: {  	v0 =	vmul.f32 v0, v10;
	[tilespmem:s6+$0xFFFFFFC0] =	vst v2  }
0x162: {  	[tilespmem:s6+$0xFFFFFFD0] =	vst v1;
	v1 =	vmul.f32 v5, v13  }
0x163: {  	[tilespmem:s6+$0xFFFFFFE0] =	vst v0;
	v0 =	vmul.f32 v6, v11  }
0x164: {  	[tilespmem:s6+$0x0] =	vst v1;
	v1 =	vmul.f32 v4, v8  }
0x165: {  	[tilespmem:s6+$0x10] =	vst v0;
	v0 =	vmul.f32 v3, v7  }
0x166: {  	[tilespmem:s6+$0x20] =	vst v1  }
0x167: {  	s28 =	simm.s32 $0x0;
	s26 =	sadd.s32 $0x708, s25;
	[tilespmem:s6+$0x40] =	vst v0  }
0x168: {  	[hbm4b:s26+s28] =	stream.linear.scatter [tilespmem:s18], [sflag:$0x2], $0x1C20, $0x38;
	[tilespmem:$0x1F980] =	vst v63  }
0x169: {  	_ =	swait.ge [sflag:s21], $0x1C20  }
0x16a: {  	[sflag:s21] =	ssyncset.done $0x0  }
0x16b: {  	s26 =	simm.s32 $0x0;
	[sflag:s21] =	ssyncadd.s32 $0xFFFFE3E0  }
0x16c: {  	v4 =	vld [tilespmem:s26+$0xC510]  }
0x16d: {  	v9 =	vld [tilespmem:s26+$0xC4E0]  }
0x16e: {  	v0 =	vld [tilespmem:s26+$0xC540]  }
0x16f: {  	v6 =	vld [tilespmem:s26+$0xC570]  }
0x170: {  	v5 =	vld [tilespmem:s26+$0x54F0]  }
0x171: {  	v7 =	vld [tilespmem:s26+$0x5490]  }
0x172: {  	v12 =	vld [tilespmem:s26+$0x54E0]  }
0x173: {  	v1 =	vld [tilespmem:s26+$0xC560]  }
0x174: {  	v2 =	vld [tilespmem:s26+$0xC4F0]  }
0x175: {  	v8 =	vld [tilespmem:s26+$0x54A0]  }
0x176: {  	v3 =	vld [tilespmem:s26+$0xC530]  }
0x177: {  	s29 =	sand.u32 $0x1FE0, s28;
	v10 =	vld [tilespmem:s26+$0x5460]  }
0x178: {  	v11 =	vld [tilespmem:s29+$0x5480]  }
0x179: {  	v14 =	vld [tilespmem:s29+$0xC500]  }
0x17a: {  	v15 =	vld [tilespmem:s26+$0x54D0]  }
0x17b: {  	v62 =	vld [tilespmem:s26+$0x54B0]  }
0x17c: {  	v17 =	vld [tilespmem:s26+$0x5470]  }
0x17d: {  	v18 =	vld [tilespmem:s26+$0x54C0]  }
0x17e: {  	v13 =	vld.idx.msk [tilespmem:v5+s24+$0x0], $0xffff  }
0x17f: {  	v5 =	vld [tilespmem:s26+$0xC520]  }
0x180: {  	v7 =	vld.idx.msk [tilespmem:v7+s24+$0x0], $0xffff  }
0x181: {  	v19 =	vld.idx.msk [tilespmem:v10+s24+$0x0], $0xffff  }
0x182: {  	v20 =	vld.idx.msk [tilespmem:v11+s24+$0x0], $0xffff  }
0x183: {  	v11 =	vld.idx.msk [tilespmem:v8+s24+$0x0], $0xffff  }
0x184: {  	v10 =	vld.idx.msk [tilespmem:v62+s24+$0x0], $0xffff  }
0x185: {  	v8 =	vld.idx.msk [tilespmem:v17+s24+$0x0], $0xffff  }
0x186: {  	v63 =	vmul.f32 v6, v13;
	v6 =	vld.idx.msk [tilespmem:v12+s24+$0x0], $0xffff  }
0x187: {  	v13 =	vmul.f32 v4, v7;
	v7 =	vld.idx.msk [tilespmem:v18+s24+$0x0], $0xffff  }
0x188: {  	s30 =	simm.s32 $0x0;
	s31 =	simm.s32 $0x280;
	v12 =	vmul.f32 v9, v19;
	v4 =	vmul.f32 v14, v20;
	v9 =	vld.idx.msk [tilespmem:v15+s24+$0x0], $0xffff;
	[tilespmem:s26+$0x1DDB0] =	vst v63  }
.LBB2_24:
0x189: {  	s2 =	sshra.s32 s31, $0x2;
	s30 =	sadd.s32 $0xA, s30;
	[tilespmem:s26+$0x1DD50] =	vst v13;
	v5 =	vmul.f32 v5, v11;
	v11 =	vld [tilespmem:s26+$0xC550];
	s28 =	sadd.s32 $0xA0, s28  }
0x18a: {  	v3 =	vmul.f32 v3, v10;
	v13 =	vld [tilespmem:s2+$0xC510];
	p3 =	slt.u32 s30, $0x1B8;
	[tilespmem:s26+$0x1DD20] =	vst v12  }
0x18b: {  	s6 =	sand.u32 $0x1FE0, s28;
	v2 =	vmul.f32 v2, v8;
	v12 =	vld [tilespmem:s2+$0xC4E0];
	[tilespmem:s26+$0x1DD60] =	vst v5  }
0x18c: {  	v1 =	vmul.f32 v1, v6;
	v5 =	vld [tilespmem:s2+$0xC540];
	[tilespmem:s26+$0x1DD70] =	vst v3  }
0x18d: {  	v0 =	vmul.f32 v0, v7;
	v6 =	vld [tilespmem:s2+$0xC570];
	[tilespmem:s26+$0x1DD30] =	vst v2  }
0x18e: {  	v7 =	vld [tilespmem:s2+$0x54F0];
	v2 =	vmul.f32 v11, v9;
	[tilespmem:s26+$0x1DDA0] =	vst v1  }
0x18f: {  	v8 =	vld [tilespmem:s2+$0x5490];
	[tilespmem:s29+$0x1DD80] =	vst v0;
	s29 =	smov.u32 s6  }
0x190: {  	v9 =	vld [tilespmem:s2+$0x54E0];
	[tilespmem:s26+$0x1DD90] =	vst v2  }
0x191: {  	v1 =	vld [tilespmem:s2+$0xC560];
	[tilespmem:s26+$0x1DD40] =	vst v4;
	v0 =	vmov v5;
	s26 =	smov.u32 s2  }
0x192: {  	v2 =	vld [tilespmem:s26+$0xC4F0]  }
0x193: {  	v4 =	vld [tilespmem:s26+$0x54A0]  }
0x194: {  	v3 =	vld [tilespmem:s26+$0xC530]  }
0x195: {  	v10 =	vld [tilespmem:s26+$0x5460]  }
0x196: {  	v7 =	vld.idx.msk [tilespmem:v7+s24+$0x0], $0xffff  }
0x197: {  	v11 =	vld [tilespmem:s29+$0x5480]  }
0x198: {  	v14 =	vld [tilespmem:s29+$0xC500]  }
0x199: {  	v15 =	vld [tilespmem:s26+$0x54D0]  }
0x19a: {  	v16 =	vld [tilespmem:s26+$0x54B0]  }
0x19b: {  	v17 =	vld [tilespmem:s26+$0x5470]  }
0x19c: {  	v5 =	vld [tilespmem:s26+$0xC520]  }
0x19d: {  	v18 =	vld [tilespmem:s26+$0x54C0]  }
0x19e: {  	v19 =	vld.idx.msk [tilespmem:v8+s24+$0x0], $0xffff  }
0x19f: {  	v20 =	vld.idx.msk [tilespmem:v10+s24+$0x0], $0xffff  }
0x1a0: {  	v21 =	vld.idx.msk [tilespmem:v11+s24+$0x0], $0xffff  }
0x1a1: {  	v11 =	vld.idx.msk [tilespmem:v4+s24+$0x0], $0xffff;
	v4 =	vmul.f32 v6, v7  }
.Ltmp14:
0x1a2: {  	v10 =	vld.idx.msk [tilespmem:v16+s24+$0x0], $0xffff;
	(pc) =	sbr.rel @p3 .LBB2_24-.Ltmp14, $4  }
0x1a3: {  	v8 =	vld.idx.msk [tilespmem:v17+s24+$0x0], $0xffff  }
0x1a4: {  	v13 =	vmul.f32 v13, v19;
	v6 =	vld.idx.msk [tilespmem:v9+s24+$0x0], $0xffff;
	[tilespmem:s26+$0x1DDB0] =	vst v4  }
0x1a5: {  	v12 =	vmul.f32 v12, v20;
	v7 =	vld.idx.msk [tilespmem:v18+s24+$0x0], $0xffff  }
0x1a6: {  	s31 =	sadd.s32 $0x280, s31;
	v4 =	vmul.f32 v14, v21;
	v9 =	vld.idx.msk [tilespmem:v15+s24+$0x0], $0xffff  }
0x1a7: {  	[tilespmem:s26+$0x1DD50] =	vst v13  }
0x1a8: {  	v5 =	vmul.f32 v5, v11;
	v62 =	vld [tilespmem:s26+$0xC550];
	[tilespmem:s26+$0x1DD20] =	vst v12  }
0x1a9: {  	v3 =	vmul.f32 v3, v10;
	[tilespmem:s26+$0x1DD40] =	vst v4  }
0x1aa: {  	v2 =	vmul.f32 v2, v8;
	[tilespmem:s26+$0x1DD60] =	vst v5  }
0x1ab: {  	p3 =	slt.u32 s23, s14;
	[tilespmem:s26+$0x1DD70] =	vst v3;
	v1 =	vmul.f32 v1, v6  }
.Ltmp15:
0x1ac: {  	[tilespmem:s26+$0x1DD30] =	vst v2;
	v0 =	vmul.f32 v0, v7;
	(pc) =	sbr.rel @p3 .LBB2_7-.Ltmp15, $4  }
0x1ad: {  	[tilespmem:s26+$0x1DDA0] =	vst v1;
	v63 =	vmul.f32 v62, v9  }
0x1ae: {  	[tilespmem:s29+$0x1DD80] =	vst v0  }
0x1af: {  	s2 =	sadd.s32 $0xA8C, s25;
	s25 =	smov.u32 s23;
	[tilespmem:s26+$0x1DD90] =	vst v63  }
0x1b0: {  	[hbm4b:s2+s9] =	stream.linear.scatter [tilespmem:s19], [sflag:$0x3], $0x1C20, $0x38;
	[tilespmem:$0x1F980] =	vst v63  }
0x1b1: {  	s22 =	sadd.s32 $0x1, s22  }
0x1b2: {  	_ =	swait.ge [sflag:s20], $0x1C20;
	p3 =	sne.s32 s22, s15  }
.Ltmp16:
0x1b3: {  	[sflag:s20] =	ssyncset.done $0x0;
	(pc) =	sbr.rel @p3 .LBB2_1-.Ltmp16, $4  }
0x1b4: {  	[sflag:s20] =	ssyncadd.s32 $0xFFFFE3E0  }
0x1b5: {  	_ =	swait.ge [sflag:s21], $0x1C20  }
0x1b6: {  	[sflag:s21] =	ssyncset.done $0x0  }
0x1b7: {  	[sflag:s21] =	ssyncadd.s32 $0xFFFFE3E0  }
0x1b8: {  	_ =	sfence.sel $0x180000  }
0x1b9: {  	[bflag:$0x0] =	sbarrier.arrive $0xFFFF  }
0x1ba: {  	_ =	strace $0x90000047  }
0x1bb: {  	s0 =	stileid.u32;
	[bflag:$0x2] =	sbarrier.arrive $0xFFFF  }
0x1bc: {  	p0 =	sne.s32 s0, $0x0;
	s0 =	rddreg [dreg:$0x7]  }
0x1bd: {  	s0 =	sadd.s32 @!p0 $0x100000, s0  }
0x1be: {  	[sflag:s0] =	ssyncadd.tile.s32 @!p0 $0x1;
	_ =	shalt  }
.Lfunc_end2:
_tile_overlayer_lowered:
.L_overlay_start_2:
0x1bf: {  	(tag) =	ssettag $0x2  }
0x1c0: {  	s0 =	rddreg [dreg:$0x0];
	s2 =	stileid.u32  }
0x1c1: {  	s1 =	rddreg [dreg:$0x1];
	p0 =	sne.s32 s2, $0x0  }
0x1c2: {  	s3 =	rddreg [dreg:$0x2];
	[bflag:$0x3] =	sbarrier.arrive $0xFFFF;
	s2 =	simm.s32 @!p0 $0x1C04  }
0x1c3: {  	[timem:s3], [sflag:s2] =	dma.local @!p0 [hbm:s0], s1  }
0x1c4: {  	s0 =	simm.s32 @!p0 $0x4  }
0x1c5: {  	_ =	swait.ge @!p0 [sflag:s0], s1  }
0x1c6: {  	s1 =	ssub.s32 @!p0 $0x0, s1;
	[sflag:s0] =	ssyncset.done @!p0 $0x0  }
0x1c7: {  	[sflag:s0] =	ssyncadd.s32 @!p0 s1  }
0x1c8: {  	[bflag:$0x3] =	sbarrier.arrive $0xFFFF  }
0x1c9: {  	_ =	shalt  }

</sc_bundles>
